<compile_context>
chip_gen: v7x
topology: tpu7x:2x2x1
jax: 0.10.2.dev20260603
libtpu: 0.0.44.dev20260713+nightly
codegen_flags: <defaults>
</compile_context>

<pallas_src>
import jax
import jax.numpy as jnp
from jax import lax
from jax.experimental import pallas as pl
from jax.experimental.pallas import tpu as pltpu
from jax.experimental.pallas import tpu_sc as plsc

BATCH = 8192
W = 16
NCH = 4
CW = 4
NOPS = 32
NUM_CORES = 2
NUM_SUBCORES = 16
NW = NUM_CORES * NUM_SUBCORES
ROWS_PER_W = BATCH // NW
BLK = 16
NBLK = ROWS_PER_W // BLK
NCONST = 2 * NCH * NCH + 1


def _tec_body(rows_hbm, consts_hbm, out_hbm, rv, tcol, cv, ov):
    wid = lax.axis_index("s") * NUM_CORES + lax.axis_index("c")
    pltpu.sync_copy(rows_hbm.at[pl.ds(wid * ROWS_PER_W * W, ROWS_PER_W * W)], rv)
    pltpu.sync_copy(consts_hbm, cv)
    lane = lax.iota(jnp.int32, BLK)
    zero = jnp.zeros((BLK,), jnp.int32)

    def block(b, carry):
        boff = jnp.int32(b) * jnp.int32(BLK)
        for r in range(BLK):
            row = rv[pl.ds((boff + r) * W, W)]
            plsc.store_scatter(tcol, [lane * W + r], row)
        cols = [tcol[pl.ds(i * BLK, BLK)] for i in range(W)]
        ch_m, ch_eq = [], []
        for ch in range(NCH):
            c4 = cols[CW * ch:CW * ch + CW]
            m = jnp.minimum(jnp.minimum(c4[0], c4[1]), jnp.minimum(c4[2], c4[3]))
            mx = jnp.maximum(jnp.maximum(c4[0], c4[1]), jnp.maximum(c4[2], c4[3]))
            ch_m.append(m)
            ch_eq.append(m == mx)
        viol = cv[pl.ds(2 * NCH * NCH * BLK, BLK)]
        for a in range(NCH):
            na = cv[pl.ds((a * NCH + a) * BLK, BLK)]
            viol = viol | jnp.where(ch_eq[a], zero, na)
        for a in range(NCH):
            for c in range(a + 1, NCH):
                allm = ch_eq[a] & ch_eq[c] & (ch_m[a] == ch_m[c])
                eqs = [cols[CW * a + i] == cols[CW * c + j]
                       for i in range(CW) for j in range(CW)]
                anym = eqs[0]
                for e in eqs[1:]:
                    anym = anym | e
                na = cv[pl.ds((a * NCH + c) * BLK, BLK)]
                nn = cv[pl.ds((NCH * NCH + a * NCH + c) * BLK, BLK)]
                viol = viol | jnp.where(allm, zero, na) | jnp.where(anym, nn, zero)
        ov[pl.ds(boff, BLK)] = ~viol
        return carry

    lax.fori_loop(jnp.int32(0), jnp.int32(NBLK), block, jnp.int32(0))
    pltpu.sync_copy(ov, out_hbm.at[pl.ds(wid * ROWS_PER_W, ROWS_PER_W)])


@jax.jit
def kernel(tensor, relations_mask, mode_mask):
    opbit = jnp.left_shift(jnp.int32(1), jnp.arange(NOPS, dtype=jnp.int32))
    needm = (relations_mask & mode_mask).reshape(
        NOPS, NCH, CW, NCH, CW).any(axis=(2, 4))
    neednm = (relations_mask & ~mode_mask).reshape(
        NOPS, NCH, CW, NCH, CW).any(axis=(2, 4))
    na4 = jnp.where(needm, opbit[:, None, None], jnp.int32(0)).sum(
        axis=0, dtype=jnp.int32)
    nn4 = jnp.where(neednm, opbit[:, None, None], jnp.int32(0)).sum(
        axis=0, dtype=jnp.int32)
    na_t = (na4 | na4.T).reshape(-1)
    nn_t = (nn4 | nn4.T).reshape(-1)
    eye = jnp.eye(NCH, dtype=bool)
    base = jax.lax.reduce(jnp.where(eye, nn4, jnp.int32(0)),
                          jnp.int32(0), lax.bitwise_or, (0, 1))
    consts = jnp.concatenate([na_t, nn_t, base[None]])
    consts = jnp.broadcast_to(consts[:, None], (NCONST, BLK)).reshape(-1)

    rows = tensor.reshape(-1).astype(jnp.int32)

    mesh = plsc.VectorSubcoreMesh(
        core_axis_name="c", subcore_axis_name="s",
        num_cores=NUM_CORES, num_subcores=NUM_SUBCORES)
    trig = pl.kernel(
        _tec_body,
        out_type=jax.ShapeDtypeStruct((BATCH,), jnp.int32),
        mesh=mesh,
        compiler_params=pltpu.CompilerParams(needs_layout_passes=False),
        scratch_types=[
            pltpu.VMEM((ROWS_PER_W * W,), jnp.int32),
            pltpu.VMEM((BLK * W,), jnp.int32),
            pltpu.VMEM((NCONST * BLK,), jnp.int32),
            pltpu.VMEM((ROWS_PER_W,), jnp.int32),
        ],
    )(rows, consts)

    trig_u = lax.bitcast_convert_type(trig, jnp.uint32)
    shifts = jnp.arange(NOPS, dtype=jnp.uint32)
    return (jnp.right_shift(trig_u[:, None], shifts[None, :]) & 1) != 0

# --- scband reference (transcript-rebuilt; emitter-appended) ---
"""Pipeline reference for scband-matching-cases-trigger-56075093016686 (READ-ONLY COPY).

The authoritative reference and input builder live on the scoring server;
editing this copy changes nothing except your own understanding.
"""

import jax, jax.numpy as jnp
import numpy as np
jax.config.update("jax_enable_x64", True)

BATCH = 8192
NUM_CHANNELS = 4
CHANNEL_WIDTH = 4
TOTAL_WIDTH = NUM_CHANNELS * CHANNEL_WIDTH
NUM_OPS = 32


def _build_masks():
    # Mimics MatchingCasesTrigger.create_trigger: for each FSM operator, register
    # channel-pair match/nomatch patterns as [W, W] boolean block masks; some
    # operators are noops (all-False masks -> trigger always fires True).
    rng = np.random.RandomState(0)
    relations = np.zeros((NUM_OPS, TOTAL_WIDTH, TOTAL_WIDTH), dtype=bool)
    modes = np.zeros((NUM_OPS, TOTAL_WIDTH, TOTAL_WIDTH), dtype=bool)
    slices = [slice(i * CHANNEL_WIDTH, (i + 1) * CHANNEL_WIDTH) for i in range(NUM_CHANNELS)]
    for op in range(NUM_OPS):
        if op % 8 == 0:
            continue  # register_noop: all-False masks
        n_pat = rng.randint(1, 3)
        for _ in range(n_pat):
            a = int(rng.randint(0, NUM_CHANNELS))
            b = int(rng.randint(0, NUM_CHANNELS))
            mode = bool(rng.randint(0, 2))
            relations[op, slices[a], slices[b]] = True
            modes[op, slices[a], slices[b]] = mode
    return jnp.asarray(relations), jnp.asarray(modes)


def setup_inputs(seed: int = 0) -> dict:
    key = jax.random.key(seed)
    tensor = jax.random.randint(key, (BATCH, TOTAL_WIDTH), 0, 1024, dtype=jnp.int64)
    relations_mask, mode_mask = _build_masks()
    return {"tensor": tensor, "relations_mask": relations_mask, "mode_mask": mode_mask}


def reference(tensor, relations_mask, mode_mask):
    # Pairwise element equality of the CBTensor flat state: [..., W, W]
    matches = tensor[..., :, None] == tensor[..., None, :]
    # Broadcast over operators: [..., 1, W, W] vs masks [NUM_OPS, W, W]
    matches = matches[..., None, :, :]
    # A relation is satisfied where (match == mode); positions with no relation
    # registered (relations_mask == False) are vacuously satisfied.
    satisfied = jnp.logical_or(matches == mode_mask, jnp.logical_not(relations_mask))
    # Trigger fires for an operator only if ALL of its registered relations hold.
    return jnp.all(satisfied, axis=(-1, -2))  # bool [..., NUM_OPS]

if __name__ == "__main__":
    import jax
    _d = setup_inputs()
    print(jax.jit(kernel)(*tuple(_d.values())))

</pallas_src>

<mosaic_0001>
#map = affine_map<(d0, d1) -> (0)>
module attributes {stable_mosaic.version = 14 : i64} {
  func.func @_tec_body(%arg0: i32, %arg1: i32, %arg2: memref<131072xi32, #tpu.memory_space<hbm>>, %arg3: memref<528xi32, #tpu.memory_space<hbm>>, %arg4: memref<8192xi32, #tpu.memory_space<hbm>>, %arg5: memref<4096xi32, #tpu.memory_space<vmem>>, %arg6: memref<256xi32, #tpu.memory_space<vmem>>, %arg7: memref<528xi32, #tpu.memory_space<vmem>>, %arg8: memref<256xi32, #tpu.memory_space<vmem>>) attributes {dimension_semantics = [#tpu.dimension_semantics<core_parallel>, #tpu.dimension_semantics<subcore_parallel>], iteration_bounds = array<i64: 2, 16>, scalar_prefetch = 0 : i64, scratch_operands = 4 : i64, tpu.core_type = #tpu.core_type<sc_vector_subcore>, window_params = [{transform_indices = #map}, {transform_indices = #map}, {transform_indices = #map}]} {
    %mul3A = arith.constant 2 : i32
    %mul3A_0 = arith.muli %arg1, %mul3A : i32
    %add3A = arith.addi %mul3A_0, %arg0 : i32
    %mul3A_1 = arith.constant 256 : i32
    %mul3A_2 = arith.muli %add3A, %mul3A_1 : i32
    %mul3A_3 = arith.constant 16 : i32
    %mul3A_4 = arith.muli %mul3A_2, %mul3A_3 : i32
    "tpu.region"() ({
      %run_scoped3A = tpu.sem_alloc : memref<!tpu.dma_semaphore, #tpu.memory_space<semaphore_mem>>
      %dma_start3A = tpu.memref_slice %arg2[%mul3A_4] : memref<131072xi32, #tpu.memory_space<hbm>> -> memref<4096xi32, #tpu.memory_space<hbm>>
      %dma_start3A_18 = tpu.memref_slice %arg2[%mul3A_4] : memref<131072xi32, #tpu.memory_space<hbm>> -> memref<4096xi32, #tpu.memory_space<hbm>>
      tpu.enqueue_dma source(%dma_start3A_18 : memref<4096xi32, #tpu.memory_space<hbm>>) target(%arg5 : memref<4096xi32, #tpu.memory_space<vmem>>) target_semaphore(%run_scoped3A : memref<!tpu.dma_semaphore, #tpu.memory_space<semaphore_mem>>)
      %dma_wait3A = tpu.memref_slice %arg2[%mul3A_4] : memref<131072xi32, #tpu.memory_space<hbm>> -> memref<4096xi32, #tpu.memory_space<hbm>>
      %dma_wait3A_19 = tpu.memref_slice %arg2[%mul3A_4] : memref<131072xi32, #tpu.memory_space<hbm>> -> memref<4096xi32, #tpu.memory_space<hbm>>
      tpu.wait_dma2 semaphore(%run_scoped3A : memref<!tpu.dma_semaphore, #tpu.memory_space<semaphore_mem>>) src(%dma_wait3A_19 : memref<4096xi32, #tpu.memory_space<hbm>>) dst(%arg5 : memref<4096xi32, #tpu.memory_space<vmem>>)
      tpu.yield
    }) : () -> ()
    "tpu.region"() ({
      %run_scoped3A = tpu.sem_alloc : memref<!tpu.dma_semaphore, #tpu.memory_space<semaphore_mem>>
      tpu.enqueue_dma source(%arg3 : memref<528xi32, #tpu.memory_space<hbm>>) target(%arg7 : memref<528xi32, #tpu.memory_space<vmem>>) target_semaphore(%run_scoped3A : memref<!tpu.dma_semaphore, #tpu.memory_space<semaphore_mem>>)
      tpu.wait_dma2 semaphore(%run_scoped3A : memref<!tpu.dma_semaphore, #tpu.memory_space<semaphore_mem>>) src(%arg3 : memref<528xi32, #tpu.memory_space<hbm>>) dst(%arg7 : memref<528xi32, #tpu.memory_space<vmem>>)
      tpu.yield
    }) : () -> ()
    %iota3A = tpu.iota {dimensions = array<i32: 0>} : vector<16xi32>
    %broadcast_in_dim3A = arith.constant 0 : i32
    %broadcast_in_dim3A_5 = vector.broadcast %broadcast_in_dim3A : i32 to vector<16xi32>
    %while3A = arith.constant 0 : i32
    %while3A_6 = arith.constant 0 : i32
    %while3A_7 = arith.constant 16 : i32
    %while3A_8 = arith.subi %while3A_7, %while3A_6 : i32
    %while3A_9 = arith.addi %while3A_6, %while3A_8 : i32
    %while3A_10 = arith.constant 1 : i32
    %while3A_11 = arith.divsi %while3A_8, %while3A_10 : i32
    %while3A_12 = arith.muli %while3A_11, %while3A_10 : i32
    %while3A_13 = arith.addi %while3A_6, %while3A_12 : i32
    %while3A_14 = arith.constant 1 : i32
    scf.for %while3A_18 = %while3A_6 to %while3A_13 step %while3A_14  : i32 {
      %mul3A_19 = arith.constant 16 : i32
      %mul3A_20 = arith.muli %while3A_18, %mul3A_19 : i32
      %add3A_21 = arith.constant 0 : i32
      %add3A_22 = arith.addi %mul3A_20, %add3A_21 : i32
      %mul3A_23 = arith.constant 16 : i32
      %mul3A_24 = arith.muli %add3A_22, %mul3A_23 : i32
      %get3A = arith.index_cast %mul3A_24 : i32 to index
      %get3A_25 = tpu.vector_load %arg5[%get3A] {strides = array<i32>} : memref<4096xi32, #tpu.memory_space<vmem>>, vector<16xi32>,
      %mul3A_26 = arith.constant 16 : i32
      %mul3A_27 = vector.broadcast %mul3A_26 : i32 to vector<16xi32>
      %mul3A_28 = arith.muli %iota3A, %mul3A_27 : vector<16xi32>
      %add3A_29 = arith.constant 0 : i32
      %add3A_30 = vector.broadcast %add3A_29 : i32 to vector<16xi32>
      %add3A_31 = arith.addi %mul3A_28, %add3A_30 : vector<16xi32>
      tpu.vector_store_idx %arg6[%add3A_31], %get3A_25 : memref<256xi32, #tpu.memory_space<vmem>>[vector<16xi32>], vector<16xi32>,
      %add3A_32 = arith.constant 1 : i32
      %add3A_33 = arith.addi %mul3A_20, %add3A_32 : i32
      %mul3A_34 = arith.constant 16 : i32
      %mul3A_35 = arith.muli %add3A_33, %mul3A_34 : i32
      %get3A_36 = arith.index_cast %mul3A_35 : i32 to index
      %get3A_37 = tpu.vector_load %arg5[%get3A_36] {strides = array<i32>} : memref<4096xi32, #tpu.memory_space<vmem>>, vector<16xi32>,
      %mul3A_38 = arith.constant 16 : i32
      %mul3A_39 = vector.broadcast %mul3A_38 : i32 to vector<16xi32>
      %mul3A_40 = arith.muli %iota3A, %mul3A_39 : vector<16xi32>
      %add3A_41 = arith.constant 1 : i32
      %add3A_42 = vector.broadcast %add3A_41 : i32 to vector<16xi32>
      %add3A_43 = arith.addi %mul3A_40, %add3A_42 : vector<16xi32>
      tpu.vector_store_idx %arg6[%add3A_43], %get3A_37 : memref<256xi32, #tpu.memory_space<vmem>>[vector<16xi32>], vector<16xi32>,
      %add3A_44 = arith.constant 2 : i32
      %add3A_45 = arith.addi %mul3A_20, %add3A_44 : i32
      %mul3A_46 = arith.constant 16 : i32
      %mul3A_47 = arith.muli %add3A_45, %mul3A_46 : i32
      %get3A_48 = arith.index_cast %mul3A_47 : i32 to index
      %get3A_49 = tpu.vector_load %arg5[%get3A_48] {strides = array<i32>} : memref<4096xi32, #tpu.memory_space<vmem>>, vector<16xi32>,
      %mul3A_50 = arith.constant 16 : i32
      %mul3A_51 = vector.broadcast %mul3A_50 : i32 to vector<16xi32>
      %mul3A_52 = arith.muli %iota3A, %mul3A_51 : vector<16xi32>
      %add3A_53 = arith.constant 2 : i32
      %add3A_54 = vector.broadcast %add3A_53 : i32 to vector<16xi32>
      %add3A_55 = arith.addi %mul3A_52, %add3A_54 : vector<16xi32>
      tpu.vector_store_idx %arg6[%add3A_55], %get3A_49 : memref<256xi32, #tpu.memory_space<vmem>>[vector<16xi32>], vector<16xi32>,
      %add3A_56 = arith.constant 3 : i32
      %add3A_57 = arith.addi %mul3A_20, %add3A_56 : i32
      %mul3A_58 = arith.constant 16 : i32
      %mul3A_59 = arith.muli %add3A_57, %mul3A_58 : i32
      %get3A_60 = arith.index_cast %mul3A_59 : i32 to index
      %get3A_61 = tpu.vector_load %arg5[%get3A_60] {strides = array<i32>} : memref<4096xi32, #tpu.memory_space<vmem>>, vector<16xi32>,
      %mul3A_62 = arith.constant 16 : i32
      %mul3A_63 = vector.broadcast %mul3A_62 : i32 to vector<16xi32>
      %mul3A_64 = arith.muli %iota3A, %mul3A_63 : vector<16xi32>
      %add3A_65 = arith.constant 3 : i32
      %add3A_66 = vector.broadcast %add3A_65 : i32 to vector<16xi32>
      %add3A_67 = arith.addi %mul3A_64, %add3A_66 : vector<16xi32>
      tpu.vector_store_idx %arg6[%add3A_67], %get3A_61 : memref<256xi32, #tpu.memory_space<vmem>>[vector<16xi32>], vector<16xi32>,
      %add3A_68 = arith.constant 4 : i32
      %add3A_69 = arith.addi %mul3A_20, %add3A_68 : i32
      %mul3A_70 = arith.constant 16 : i32
      %mul3A_71 = arith.muli %add3A_69, %mul3A_70 : i32
      %get3A_72 = arith.index_cast %mul3A_71 : i32 to index
      %get3A_73 = tpu.vector_load %arg5[%get3A_72] {strides = array<i32>} : memref<4096xi32, #tpu.memory_space<vmem>>, vector<16xi32>,
      %mul3A_74 = arith.constant 16 : i32
      %mul3A_75 = vector.broadcast %mul3A_74 : i32 to vector<16xi32>
      %mul3A_76 = arith.muli %iota3A, %mul3A_75 : vector<16xi32>
      %add3A_77 = arith.constant 4 : i32
      %add3A_78 = vector.broadcast %add3A_77 : i32 to vector<16xi32>
      %add3A_79 = arith.addi %mul3A_76, %add3A_78 : vector<16xi32>
      tpu.vector_store_idx %arg6[%add3A_79], %get3A_73 : memref<256xi32, #tpu.memory_space<vmem>>[vector<16xi32>], vector<16xi32>,
      %add3A_80 = arith.constant 5 : i32
      %add3A_81 = arith.addi %mul3A_20, %add3A_80 : i32
      %mul3A_82 = arith.constant 16 : i32
      %mul3A_83 = arith.muli %add3A_81, %mul3A_82 : i32
      %get3A_84 = arith.index_cast %mul3A_83 : i32 to index
      %get3A_85 = tpu.vector_load %arg5[%get3A_84] {strides = array<i32>} : memref<4096xi32, #tpu.memory_space<vmem>>, vector<16xi32>,
      %mul3A_86 = arith.constant 16 : i32
      %mul3A_87 = vector.broadcast %mul3A_86 : i32 to vector<16xi32>
      %mul3A_88 = arith.muli %iota3A, %mul3A_87 : vector<16xi32>
      %add3A_89 = arith.constant 5 : i32
      %add3A_90 = vector.broadcast %add3A_89 : i32 to vector<16xi32>
      %add3A_91 = arith.addi %mul3A_88, %add3A_90 : vector<16xi32>
      tpu.vector_store_idx %arg6[%add3A_91], %get3A_85 : memref<256xi32, #tpu.memory_space<vmem>>[vector<16xi32>], vector<16xi32>,
      %add3A_92 = arith.constant 6 : i32
      %add3A_93 = arith.addi %mul3A_20, %add3A_92 : i32
      %mul3A_94 = arith.constant 16 : i32
      %mul3A_95 = arith.muli %add3A_93, %mul3A_94 : i32
      %get3A_96 = arith.index_cast %mul3A_95 : i32 to index
      %get3A_97 = tpu.vector_load %arg5[%get3A_96] {strides = array<i32>} : memref<4096xi32, #tpu.memory_space<vmem>>, vector<16xi32>,
      %mul3A_98 = arith.constant 16 : i32
      %mul3A_99 = vector.broadcast %mul3A_98 : i32 to vector<16xi32>
      %mul3A_100 = arith.muli %iota3A, %mul3A_99 : vector<16xi32>
      %add3A_101 = arith.constant 6 : i32
      %add3A_102 = vector.broadcast %add3A_101 : i32 to vector<16xi32>
      %add3A_103 = arith.addi %mul3A_100, %add3A_102 : vector<16xi32>
      tpu.vector_store_idx %arg6[%add3A_103], %get3A_97 : memref<256xi32, #tpu.memory_space<vmem>>[vector<16xi32>], vector<16xi32>,
      %add3A_104 = arith.constant 7 : i32
      %add3A_105 = arith.addi %mul3A_20, %add3A_104 : i32
      %mul3A_106 = arith.constant 16 : i32
      %mul3A_107 = arith.muli %add3A_105, %mul3A_106 : i32
      %get3A_108 = arith.index_cast %mul3A_107 : i32 to index
      %get3A_109 = tpu.vector_load %arg5[%get3A_108] {strides = array<i32>} : memref<4096xi32, #tpu.memory_space<vmem>>, vector<16xi32>,
      %mul3A_110 = arith.constant 16 : i32
      %mul3A_111 = vector.broadcast %mul3A_110 : i32 to vector<16xi32>
      %mul3A_112 = arith.muli %iota3A, %mul3A_111 : vector<16xi32>
      %add3A_113 = arith.constant 7 : i32
      %add3A_114 = vector.broadcast %add3A_113 : i32 to vector<16xi32>
      %add3A_115 = arith.addi %mul3A_112, %add3A_114 : vector<16xi32>
      tpu.vector_store_idx %arg6[%add3A_115], %get3A_109 : memref<256xi32, #tpu.memory_space<vmem>>[vector<16xi32>], vector<16xi32>,
      %add3A_116 = arith.constant 8 : i32
      %add3A_117 = arith.addi %mul3A_20, %add3A_116 : i32
      %mul3A_118 = arith.constant 16 : i32
      %mul3A_119 = arith.muli %add3A_117, %mul3A_118 : i32
      %get3A_120 = arith.index_cast %mul3A_119 : i32 to index
      %get3A_121 = tpu.vector_load %arg5[%get3A_120] {strides = array<i32>} : memref<4096xi32, #tpu.memory_space<vmem>>, vector<16xi32>,
      %mul3A_122 = arith.constant 16 : i32
      %mul3A_123 = vector.broadcast %mul3A_122 : i32 to vector<16xi32>
      %mul3A_124 = arith.muli %iota3A, %mul3A_123 : vector<16xi32>
      %add3A_125 = arith.constant 8 : i32
      %add3A_126 = vector.broadcast %add3A_125 : i32 to vector<16xi32>
      %add3A_127 = arith.addi %mul3A_124, %add3A_126 : vector<16xi32>
      tpu.vector_store_idx %arg6[%add3A_127], %get3A_121 : memref<256xi32, #tpu.memory_space<vmem>>[vector<16xi32>], vector<16xi32>,
      %add3A_128 = arith.constant 9 : i32
      %add3A_129 = arith.addi %mul3A_20, %add3A_128 : i32
      %mul3A_130 = arith.constant 16 : i32
      %mul3A_131 = arith.muli %add3A_129, %mul3A_130 : i32
      %get3A_132 = arith.index_cast %mul3A_131 : i32 to index
      %get3A_133 = tpu.vector_load %arg5[%get3A_132] {strides = array<i32>} : memref<4096xi32, #tpu.memory_space<vmem>>, vector<16xi32>,
      %mul3A_134 = arith.constant 16 : i32
      %mul3A_135 = vector.broadcast %mul3A_134 : i32 to vector<16xi32>
      %mul3A_136 = arith.muli %iota3A, %mul3A_135 : vector<16xi32>
      %add3A_137 = arith.constant 9 : i32
      %add3A_138 = vector.broadcast %add3A_137 : i32 to vector<16xi32>
      %add3A_139 = arith.addi %mul3A_136, %add3A_138 : vector<16xi32>
      tpu.vector_store_idx %arg6[%add3A_139], %get3A_133 : memref<256xi32, #tpu.memory_space<vmem>>[vector<16xi32>], vector<16xi32>,
      %add3A_140 = arith.constant 10 : i32
      %add3A_141 = arith.addi %mul3A_20, %add3A_140 : i32
      %mul3A_142 = arith.constant 16 : i32
      %mul3A_143 = arith.muli %add3A_141, %mul3A_142 : i32
      %get3A_144 = arith.index_cast %mul3A_143 : i32 to index
      %get3A_145 = tpu.vector_load %arg5[%get3A_144] {strides = array<i32>} : memref<4096xi32, #tpu.memory_space<vmem>>, vector<16xi32>,
      %mul3A_146 = arith.constant 16 : i32
      %mul3A_147 = vector.broadcast %mul3A_146 : i32 to vector<16xi32>
      %mul3A_148 = arith.muli %iota3A, %mul3A_147 : vector<16xi32>
      %add3A_149 = arith.constant 10 : i32
      %add3A_150 = vector.broadcast %add3A_149 : i32 to vector<16xi32>
      %add3A_151 = arith.addi %mul3A_148, %add3A_150 : vector<16xi32>
      tpu.vector_store_idx %arg6[%add3A_151], %get3A_145 : memref<256xi32, #tpu.memory_space<vmem>>[vector<16xi32>], vector<16xi32>,
      %add3A_152 = arith.constant 11 : i32
      %add3A_153 = arith.addi %mul3A_20, %add3A_152 : i32
      %mul3A_154 = arith.constant 16 : i32
      %mul3A_155 = arith.muli %add3A_153, %mul3A_154 : i32
      %get3A_156 = arith.index_cast %mul3A_155 : i32 to index
      %get3A_157 = tpu.vector_load %arg5[%get3A_156] {strides = array<i32>} : memref<4096xi32, #tpu.memory_space<vmem>>, vector<16xi32>,
      %mul3A_158 = arith.constant 16 : i32
      %mul3A_159 = vector.broadcast %mul3A_158 : i32 to vector<16xi32>
      %mul3A_160 = arith.muli %iota3A, %mul3A_159 : vector<16xi32>
      %add3A_161 = arith.constant 11 : i32
      %add3A_162 = vector.broadcast %add3A_161 : i32 to vector<16xi32>
      %add3A_163 = arith.addi %mul3A_160, %add3A_162 : vector<16xi32>
      tpu.vector_store_idx %arg6[%add3A_163], %get3A_157 : memref<256xi32, #tpu.memory_space<vmem>>[vector<16xi32>], vector<16xi32>,
      %add3A_164 = arith.constant 12 : i32
      %add3A_165 = arith.addi %mul3A_20, %add3A_164 : i32
      %mul3A_166 = arith.constant 16 : i32
      %mul3A_167 = arith.muli %add3A_165, %mul3A_166 : i32
      %get3A_168 = arith.index_cast %mul3A_167 : i32 to index
      %get3A_169 = tpu.vector_load %arg5[%get3A_168] {strides = array<i32>} : memref<4096xi32, #tpu.memory_space<vmem>>, vector<16xi32>,
      %mul3A_170 = arith.constant 16 : i32
      %mul3A_171 = vector.broadcast %mul3A_170 : i32 to vector<16xi32>
      %mul3A_172 = arith.muli %iota3A, %mul3A_171 : vector<16xi32>
      %add3A_173 = arith.constant 12 : i32
      %add3A_174 = vector.broadcast %add3A_173 : i32 to vector<16xi32>
      %add3A_175 = arith.addi %mul3A_172, %add3A_174 : vector<16xi32>
      tpu.vector_store_idx %arg6[%add3A_175], %get3A_169 : memref<256xi32, #tpu.memory_space<vmem>>[vector<16xi32>], vector<16xi32>,
      %add3A_176 = arith.constant 13 : i32
      %add3A_177 = arith.addi %mul3A_20, %add3A_176 : i32
      %mul3A_178 = arith.constant 16 : i32
      %mul3A_179 = arith.muli %add3A_177, %mul3A_178 : i32
      %get3A_180 = arith.index_cast %mul3A_179 : i32 to index
      %get3A_181 = tpu.vector_load %arg5[%get3A_180] {strides = array<i32>} : memref<4096xi32, #tpu.memory_space<vmem>>, vector<16xi32>,
      %mul3A_182 = arith.constant 16 : i32
      %mul3A_183 = vector.broadcast %mul3A_182 : i32 to vector<16xi32>
      %mul3A_184 = arith.muli %iota3A, %mul3A_183 : vector<16xi32>
      %add3A_185 = arith.constant 13 : i32
      %add3A_186 = vector.broadcast %add3A_185 : i32 to vector<16xi32>
      %add3A_187 = arith.addi %mul3A_184, %add3A_186 : vector<16xi32>
      tpu.vector_store_idx %arg6[%add3A_187], %get3A_181 : memref<256xi32, #tpu.memory_space<vmem>>[vector<16xi32>], vector<16xi32>,
      %add3A_188 = arith.constant 14 : i32
      %add3A_189 = arith.addi %mul3A_20, %add3A_188 : i32
      %mul3A_190 = arith.constant 16 : i32
      %mul3A_191 = arith.muli %add3A_189, %mul3A_190 : i32
      %get3A_192 = arith.index_cast %mul3A_191 : i32 to index
      %get3A_193 = tpu.vector_load %arg5[%get3A_192] {strides = array<i32>} : memref<4096xi32, #tpu.memory_space<vmem>>, vector<16xi32>,
      %mul3A_194 = arith.constant 16 : i32
      %mul3A_195 = vector.broadcast %mul3A_194 : i32 to vector<16xi32>
      %mul3A_196 = arith.muli %iota3A, %mul3A_195 : vector<16xi32>
      %add3A_197 = arith.constant 14 : i32
      %add3A_198 = vector.broadcast %add3A_197 : i32 to vector<16xi32>
      %add3A_199 = arith.addi %mul3A_196, %add3A_198 : vector<16xi32>
      tpu.vector_store_idx %arg6[%add3A_199], %get3A_193 : memref<256xi32, #tpu.memory_space<vmem>>[vector<16xi32>], vector<16xi32>,
      %add3A_200 = arith.constant 15 : i32
      %add3A_201 = arith.addi %mul3A_20, %add3A_200 : i32
      %mul3A_202 = arith.constant 16 : i32
      %mul3A_203 = arith.muli %add3A_201, %mul3A_202 : i32
      %get3A_204 = arith.index_cast %mul3A_203 : i32 to index
      %get3A_205 = tpu.vector_load %arg5[%get3A_204] {strides = array<i32>} : memref<4096xi32, #tpu.memory_space<vmem>>, vector<16xi32>,
      %mul3A_206 = arith.constant 16 : i32
      %mul3A_207 = vector.broadcast %mul3A_206 : i32 to vector<16xi32>
      %mul3A_208 = arith.muli %iota3A, %mul3A_207 : vector<16xi32>
      %add3A_209 = arith.constant 15 : i32
      %add3A_210 = vector.broadcast %add3A_209 : i32 to vector<16xi32>
      %add3A_211 = arith.addi %mul3A_208, %add3A_210 : vector<16xi32>
      tpu.vector_store_idx %arg6[%add3A_211], %get3A_205 : memref<256xi32, #tpu.memory_space<vmem>>[vector<16xi32>], vector<16xi32>,
      %get3A_212 = arith.constant 0 : index
      %get3A_213 = tpu.vector_load %arg6[%get3A_212] {strides = array<i32>} : memref<256xi32, #tpu.memory_space<vmem>>, vector<16xi32>,
      %get3A_214 = arith.constant 16 : index
      %get3A_215 = tpu.vector_load %arg6[%get3A_214] {strides = array<i32>} : memref<256xi32, #tpu.memory_space<vmem>>, vector<16xi32>,
      %get3A_216 = arith.constant 32 : index
      %get3A_217 = tpu.vector_load %arg6[%get3A_216] {strides = array<i32>} : memref<256xi32, #tpu.memory_space<vmem>>, vector<16xi32>,
      %get3A_218 = arith.constant 48 : index
      %get3A_219 = tpu.vector_load %arg6[%get3A_218] {strides = array<i32>} : memref<256xi32, #tpu.memory_space<vmem>>, vector<16xi32>,
      %get3A_220 = arith.constant 64 : index
      %get3A_221 = tpu.vector_load %arg6[%get3A_220] {strides = array<i32>} : memref<256xi32, #tpu.memory_space<vmem>>, vector<16xi32>,
      %get3A_222 = arith.constant 80 : index
      %get3A_223 = tpu.vector_load %arg6[%get3A_222] {strides = array<i32>} : memref<256xi32, #tpu.memory_space<vmem>>, vector<16xi32>,
      %get3A_224 = arith.constant 96 : index
      %get3A_225 = tpu.vector_load %arg6[%get3A_224] {strides = array<i32>} : memref<256xi32, #tpu.memory_space<vmem>>, vector<16xi32>,
      %get3A_226 = arith.constant 112 : index
      %get3A_227 = tpu.vector_load %arg6[%get3A_226] {strides = array<i32>} : memref<256xi32, #tpu.memory_space<vmem>>, vector<16xi32>,
      %get3A_228 = arith.constant 128 : index
      %get3A_229 = tpu.vector_load %arg6[%get3A_228] {strides = array<i32>} : memref<256xi32, #tpu.memory_space<vmem>>, vector<16xi32>,
      %get3A_230 = arith.constant 144 : index
      %get3A_231 = tpu.vector_load %arg6[%get3A_230] {strides = array<i32>} : memref<256xi32, #tpu.memory_space<vmem>>, vector<16xi32>,
      %get3A_232 = arith.constant 160 : index
      %get3A_233 = tpu.vector_load %arg6[%get3A_232] {strides = array<i32>} : memref<256xi32, #tpu.memory_space<vmem>>, vector<16xi32>,
      %get3A_234 = arith.constant 176 : index
      %get3A_235 = tpu.vector_load %arg6[%get3A_234] {strides = array<i32>} : memref<256xi32, #tpu.memory_space<vmem>>, vector<16xi32>,
      %get3A_236 = arith.constant 192 : index
      %get3A_237 = tpu.vector_load %arg6[%get3A_236] {strides = array<i32>} : memref<256xi32, #tpu.memory_space<vmem>>, vector<16xi32>,
      %get3A_238 = arith.constant 208 : index
      %get3A_239 = tpu.vector_load %arg6[%get3A_238] {strides = array<i32>} : memref<256xi32, #tpu.memory_space<vmem>>, vector<16xi32>,
      %get3A_240 = arith.constant 224 : index
      %get3A_241 = tpu.vector_load %arg6[%get3A_240] {strides = array<i32>} : memref<256xi32, #tpu.memory_space<vmem>>, vector<16xi32>,
      %get3A_242 = arith.constant 240 : index
      %get3A_243 = tpu.vector_load %arg6[%get3A_242] {strides = array<i32>} : memref<256xi32, #tpu.memory_space<vmem>>, vector<16xi32>,
      %min3A = arith.minsi %get3A_213, %get3A_215 : vector<16xi32>
      %min3A_244 = arith.minsi %get3A_217, %get3A_219 : vector<16xi32>
      %min3A_245 = arith.minsi %min3A, %min3A_244 : vector<16xi32>
      %max3A = arith.maxsi %get3A_213, %get3A_215 : vector<16xi32>
      %max3A_246 = arith.maxsi %get3A_217, %get3A_219 : vector<16xi32>
      %max3A_247 = arith.maxsi %max3A, %max3A_246 : vector<16xi32>
      %eq3A = arith.cmpi eq, %min3A_245, %max3A_247 : vector<16xi32>
      %min3A_248 = arith.minsi %get3A_221, %get3A_223 : vector<16xi32>
      %min3A_249 = arith.minsi %get3A_225, %get3A_227 : vector<16xi32>
      %min3A_250 = arith.minsi %min3A_248, %min3A_249 : vector<16xi32>
      %max3A_251 = arith.maxsi %get3A_221, %get3A_223 : vector<16xi32>
      %max3A_252 = arith.maxsi %get3A_225, %get3A_227 : vector<16xi32>
      %max3A_253 = arith.maxsi %max3A_251, %max3A_252 : vector<16xi32>
      %eq3A_254 = arith.cmpi eq, %min3A_250, %max3A_253 : vector<16xi32>
      %min3A_255 = arith.minsi %get3A_229, %get3A_231 : vector<16xi32>
      %min3A_256 = arith.minsi %get3A_233, %get3A_235 : vector<16xi32>
      %min3A_257 = arith.minsi %min3A_255, %min3A_256 : vector<16xi32>
      %max3A_258 = arith.maxsi %get3A_229, %get3A_231 : vector<16xi32>
      %max3A_259 = arith.maxsi %get3A_233, %get3A_235 : vector<16xi32>
      %max3A_260 = arith.maxsi %max3A_258, %max3A_259 : vector<16xi32>
      %eq3A_261 = arith.cmpi eq, %min3A_257, %max3A_260 : vector<16xi32>
      %min3A_262 = arith.minsi %get3A_237, %get3A_239 : vector<16xi32>
      %min3A_263 = arith.minsi %get3A_241, %get3A_243 : vector<16xi32>
      %min3A_264 = arith.minsi %min3A_262, %min3A_263 : vector<16xi32>
      %max3A_265 = arith.maxsi %get3A_237, %get3A_239 : vector<16xi32>
      %max3A_266 = arith.maxsi %get3A_241, %get3A_243 : vector<16xi32>
      %max3A_267 = arith.maxsi %max3A_265, %max3A_266 : vector<16xi32>
      %eq3A_268 = arith.cmpi eq, %min3A_264, %max3A_267 : vector<16xi32>
      %get3A_269 = arith.constant 512 : index
      %get3A_270 = tpu.vector_load %arg7[%get3A_269] {strides = array<i32>} : memref<528xi32, #tpu.memory_space<vmem>>, vector<16xi32>,
      %get3A_271 = arith.constant 0 : index
      %get3A_272 = tpu.vector_load %arg7[%get3A_271] {strides = array<i32>} : memref<528xi32, #tpu.memory_space<vmem>>, vector<16xi32>,
      %select_n3A = arith.select %eq3A, %broadcast_in_dim3A_5, %get3A_272 : vector<16xi1>, vector<16xi32>
      %or3A = arith.ori %get3A_270, %select_n3A : vector<16xi32>
      %get3A_273 = arith.constant 80 : index
      %get3A_274 = tpu.vector_load %arg7[%get3A_273] {strides = array<i32>} : memref<528xi32, #tpu.memory_space<vmem>>, vector<16xi32>,
      %select_n3A_275 = arith.select %eq3A_254, %broadcast_in_dim3A_5, %get3A_274 : vector<16xi1>, vector<16xi32>
      %or3A_276 = arith.ori %or3A, %select_n3A_275 : vector<16xi32>
      %get3A_277 = arith.constant 160 : index
      %get3A_278 = tpu.vector_load %arg7[%get3A_277] {strides = array<i32>} : memref<528xi32, #tpu.memory_space<vmem>>, vector<16xi32>,
      %select_n3A_279 = arith.select %eq3A_261, %broadcast_in_dim3A_5, %get3A_278 : vector<16xi1>, vector<16xi32>
      %or3A_280 = arith.ori %or3A_276, %select_n3A_279 : vector<16xi32>
      %get3A_281 = arith.constant 240 : index
      %get3A_282 = tpu.vector_load %arg7[%get3A_281] {strides = array<i32>} : memref<528xi32, #tpu.memory_space<vmem>>, vector<16xi32>,
      %select_n3A_283 = arith.select %eq3A_268, %broadcast_in_dim3A_5, %get3A_282 : vector<16xi1>, vector<16xi32>
      %or3A_284 = arith.ori %or3A_280, %select_n3A_283 : vector<16xi32>
      %and3A = arith.andi %eq3A, %eq3A_254 : vector<16xi1>
      %eq3A_285 = arith.cmpi eq, %min3A_245, %min3A_250 : vector<16xi32>
      %and3A_286 = arith.andi %and3A, %eq3A_285 : vector<16xi1>
      %eq3A_287 = arith.cmpi eq, %get3A_213, %get3A_221 : vector<16xi32>
      %eq3A_288 = arith.cmpi eq, %get3A_213, %get3A_223 : vector<16xi32>
      %eq3A_289 = arith.cmpi eq, %get3A_213, %get3A_225 : vector<16xi32>
      %eq3A_290 = arith.cmpi eq, %get3A_213, %get3A_227 : vector<16xi32>
      %eq3A_291 = arith.cmpi eq, %get3A_215, %get3A_221 : vector<16xi32>
      %eq3A_292 = arith.cmpi eq, %get3A_215, %get3A_223 : vector<16xi32>
      %eq3A_293 = arith.cmpi eq, %get3A_215, %get3A_225 : vector<16xi32>
      %eq3A_294 = arith.cmpi eq, %get3A_215, %get3A_227 : vector<16xi32>
      %eq3A_295 = arith.cmpi eq, %get3A_217, %get3A_221 : vector<16xi32>
      %eq3A_296 = arith.cmpi eq, %get3A_217, %get3A_223 : vector<16xi32>
      %eq3A_297 = arith.cmpi eq, %get3A_217, %get3A_225 : vector<16xi32>
      %eq3A_298 = arith.cmpi eq, %get3A_217, %get3A_227 : vector<16xi32>
      %eq3A_299 = arith.cmpi eq, %get3A_219, %get3A_221 : vector<16xi32>
      %eq3A_300 = arith.cmpi eq, %get3A_219, %get3A_223 : vector<16xi32>
      %eq3A_301 = arith.cmpi eq, %get3A_219, %get3A_225 : vector<16xi32>
      %eq3A_302 = arith.cmpi eq, %get3A_219, %get3A_227 : vector<16xi32>
      %or3A_303 = arith.ori %eq3A_287, %eq3A_288 : vector<16xi1>
      %or3A_304 = arith.ori %or3A_303, %eq3A_289 : vector<16xi1>
      %or3A_305 = arith.ori %or3A_304, %eq3A_290 : vector<16xi1>
      %or3A_306 = arith.ori %or3A_305, %eq3A_291 : vector<16xi1>
      %or3A_307 = arith.ori %or3A_306, %eq3A_292 : vector<16xi1>
      %or3A_308 = arith.ori %or3A_307, %eq3A_293 : vector<16xi1>
      %or3A_309 = arith.ori %or3A_308, %eq3A_294 : vector<16xi1>
      %or3A_310 = arith.ori %or3A_309, %eq3A_295 : vector<16xi1>
      %or3A_311 = arith.ori %or3A_310, %eq3A_296 : vector<16xi1>
      %or3A_312 = arith.ori %or3A_311, %eq3A_297 : vector<16xi1>
      %or3A_313 = arith.ori %or3A_312, %eq3A_298 : vector<16xi1>
      %or3A_314 = arith.ori %or3A_313, %eq3A_299 : vector<16xi1>
      %or3A_315 = arith.ori %or3A_314, %eq3A_300 : vector<16xi1>
      %or3A_316 = arith.ori %or3A_315, %eq3A_301 : vector<16xi1>
      %or3A_317 = arith.ori %or3A_316, %eq3A_302 : vector<16xi1>
      %get3A_318 = arith.constant 16 : index
      %get3A_319 = tpu.vector_load %arg7[%get3A_318] {strides = array<i32>} : memref<528xi32, #tpu.memory_space<vmem>>, vector<16xi32>,
      %get3A_320 = arith.constant 272 : index
      %get3A_321 = tpu.vector_load %arg7[%get3A_320] {strides = array<i32>} : memref<528xi32, #tpu.memory_space<vmem>>, vector<16xi32>,
      %select_n3A_322 = arith.select %and3A_286, %broadcast_in_dim3A_5, %get3A_319 : vector<16xi1>, vector<16xi32>
      %or3A_323 = arith.ori %or3A_284, %select_n3A_322 : vector<16xi32>
      %select_n3A_324 = arith.select %or3A_317, %get3A_321, %broadcast_in_dim3A_5 : vector<16xi1>, vector<16xi32>
      %or3A_325 = arith.ori %or3A_323, %select_n3A_324 : vector<16xi32>
      %and3A_326 = arith.andi %eq3A, %eq3A_261 : vector<16xi1>
      %eq3A_327 = arith.cmpi eq, %min3A_245, %min3A_257 : vector<16xi32>
      %and3A_328 = arith.andi %and3A_326, %eq3A_327 : vector<16xi1>
      %eq3A_329 = arith.cmpi eq, %get3A_213, %get3A_229 : vector<16xi32>
      %eq3A_330 = arith.cmpi eq, %get3A_213, %get3A_231 : vector<16xi32>
      %eq3A_331 = arith.cmpi eq, %get3A_213, %get3A_233 : vector<16xi32>
      %eq3A_332 = arith.cmpi eq, %get3A_213, %get3A_235 : vector<16xi32>
      %eq3A_333 = arith.cmpi eq, %get3A_215, %get3A_229 : vector<16xi32>
      %eq3A_334 = arith.cmpi eq, %get3A_215, %get3A_231 : vector<16xi32>
      %eq3A_335 = arith.cmpi eq, %get3A_215, %get3A_233 : vector<16xi32>
      %eq3A_336 = arith.cmpi eq, %get3A_215, %get3A_235 : vector<16xi32>
      %eq3A_337 = arith.cmpi eq, %get3A_217, %get3A_229 : vector<16xi32>
      %eq3A_338 = arith.cmpi eq, %get3A_217, %get3A_231 : vector<16xi32>
      %eq3A_339 = arith.cmpi eq, %get3A_217, %get3A_233 : vector<16xi32>
      %eq3A_340 = arith.cmpi eq, %get3A_217, %get3A_235 : vector<16xi32>
      %eq3A_341 = arith.cmpi eq, %get3A_219, %get3A_229 : vector<16xi32>
      %eq3A_342 = arith.cmpi eq, %get3A_219, %get3A_231 : vector<16xi32>
      %eq3A_343 = arith.cmpi eq, %get3A_219, %get3A_233 : vector<16xi32>
      %eq3A_344 = arith.cmpi eq, %get3A_219, %get3A_235 : vector<16xi32>
      %or3A_345 = arith.ori %eq3A_329, %eq3A_330 : vector<16xi1>
      %or3A_346 = arith.ori %or3A_345, %eq3A_331 : vector<16xi1>
      %or3A_347 = arith.ori %or3A_346, %eq3A_332 : vector<16xi1>
      %or3A_348 = arith.ori %or3A_347, %eq3A_333 : vector<16xi1>
      %or3A_349 = arith.ori %or3A_348, %eq3A_334 : vector<16xi1>
      %or3A_350 = arith.ori %or3A_349, %eq3A_335 : vector<16xi1>
      %or3A_351 = arith.ori %or3A_350, %eq3A_336 : vector<16xi1>
      %or3A_352 = arith.ori %or3A_351, %eq3A_337 : vector<16xi1>
      %or3A_353 = arith.ori %or3A_352, %eq3A_338 : vector<16xi1>
      %or3A_354 = arith.ori %or3A_353, %eq3A_339 : vector<16xi1>
      %or3A_355 = arith.ori %or3A_354, %eq3A_340 : vector<16xi1>
      %or3A_356 = arith.ori %or3A_355, %eq3A_341 : vector<16xi1>
      %or3A_357 = arith.ori %or3A_356, %eq3A_342 : vector<16xi1>
      %or3A_358 = arith.ori %or3A_357, %eq3A_343 : vector<16xi1>
      %or3A_359 = arith.ori %or3A_358, %eq3A_344 : vector<16xi1>
      %get3A_360 = arith.constant 32 : index
      %get3A_361 = tpu.vector_load %arg7[%get3A_360] {strides = array<i32>} : memref<528xi32, #tpu.memory_space<vmem>>, vector<16xi32>,
      %get3A_362 = arith.constant 288 : index
      %get3A_363 = tpu.vector_load %arg7[%get3A_362] {strides = array<i32>} : memref<528xi32, #tpu.memory_space<vmem>>, vector<16xi32>,
      %select_n3A_364 = arith.select %and3A_328, %broadcast_in_dim3A_5, %get3A_361 : vector<16xi1>, vector<16xi32>
      %or3A_365 = arith.ori %or3A_325, %select_n3A_364 : vector<16xi32>
      %select_n3A_366 = arith.select %or3A_359, %get3A_363, %broadcast_in_dim3A_5 : vector<16xi1>, vector<16xi32>
      %or3A_367 = arith.ori %or3A_365, %select_n3A_366 : vector<16xi32>
      %and3A_368 = arith.andi %eq3A, %eq3A_268 : vector<16xi1>
      %eq3A_369 = arith.cmpi eq, %min3A_245, %min3A_264 : vector<16xi32>
      %and3A_370 = arith.andi %and3A_368, %eq3A_369 : vector<16xi1>
      %eq3A_371 = arith.cmpi eq, %get3A_213, %get3A_237 : vector<16xi32>
      %eq3A_372 = arith.cmpi eq, %get3A_213, %get3A_239 : vector<16xi32>
      %eq3A_373 = arith.cmpi eq, %get3A_213, %get3A_241 : vector<16xi32>
      %eq3A_374 = arith.cmpi eq, %get3A_213, %get3A_243 : vector<16xi32>
      %eq3A_375 = arith.cmpi eq, %get3A_215, %get3A_237 : vector<16xi32>
      %eq3A_376 = arith.cmpi eq, %get3A_215, %get3A_239 : vector<16xi32>
      %eq3A_377 = arith.cmpi eq, %get3A_215, %get3A_241 : vector<16xi32>
      %eq3A_378 = arith.cmpi eq, %get3A_215, %get3A_243 : vector<16xi32>
      %eq3A_379 = arith.cmpi eq, %get3A_217, %get3A_237 : vector<16xi32>
      %eq3A_380 = arith.cmpi eq, %get3A_217, %get3A_239 : vector<16xi32>
      %eq3A_381 = arith.cmpi eq, %get3A_217, %get3A_241 : vector<16xi32>
      %eq3A_382 = arith.cmpi eq, %get3A_217, %get3A_243 : vector<16xi32>
      %eq3A_383 = arith.cmpi eq, %get3A_219, %get3A_237 : vector<16xi32>
      %eq3A_384 = arith.cmpi eq, %get3A_219, %get3A_239 : vector<16xi32>
      %eq3A_385 = arith.cmpi eq, %get3A_219, %get3A_241 : vector<16xi32>
      %eq3A_386 = arith.cmpi eq, %get3A_219, %get3A_243 : vector<16xi32>
      %or3A_387 = arith.ori %eq3A_371, %eq3A_372 : vector<16xi1>
      %or3A_388 = arith.ori %or3A_387, %eq3A_373 : vector<16xi1>
      %or3A_389 = arith.ori %or3A_388, %eq3A_374 : vector<16xi1>
      %or3A_390 = arith.ori %or3A_389, %eq3A_375 : vector<16xi1>
      %or3A_391 = arith.ori %or3A_390, %eq3A_376 : vector<16xi1>
      %or3A_392 = arith.ori %or3A_391, %eq3A_377 : vector<16xi1>
      %or3A_393 = arith.ori %or3A_392, %eq3A_378 : vector<16xi1>
      %or3A_394 = arith.ori %or3A_393, %eq3A_379 : vector<16xi1>
      %or3A_395 = arith.ori %or3A_394, %eq3A_380 : vector<16xi1>
      %or3A_396 = arith.ori %or3A_395, %eq3A_381 : vector<16xi1>
      %or3A_397 = arith.ori %or3A_396, %eq3A_382 : vector<16xi1>
      %or3A_398 = arith.ori %or3A_397, %eq3A_383 : vector<16xi1>
      %or3A_399 = arith.ori %or3A_398, %eq3A_384 : vector<16xi1>
      %or3A_400 = arith.ori %or3A_399, %eq3A_385 : vector<16xi1>
      %or3A_401 = arith.ori %or3A_400, %eq3A_386 : vector<16xi1>
      %get3A_402 = arith.constant 48 : index
      %get3A_403 = tpu.vector_load %arg7[%get3A_402] {strides = array<i32>} : memref<528xi32, #tpu.memory_space<vmem>>, vector<16xi32>,
      %get3A_404 = arith.constant 304 : index
      %get3A_405 = tpu.vector_load %arg7[%get3A_404] {strides = array<i32>} : memref<528xi32, #tpu.memory_space<vmem>>, vector<16xi32>,
      %select_n3A_406 = arith.select %and3A_370, %broadcast_in_dim3A_5, %get3A_403 : vector<16xi1>, vector<16xi32>
      %or3A_407 = arith.ori %or3A_367, %select_n3A_406 : vector<16xi32>
      %select_n3A_408 = arith.select %or3A_401, %get3A_405, %broadcast_in_dim3A_5 : vector<16xi1>, vector<16xi32>
      %or3A_409 = arith.ori %or3A_407, %select_n3A_408 : vector<16xi32>
      %and3A_410 = arith.andi %eq3A_254, %eq3A_261 : vector<16xi1>
      %eq3A_411 = arith.cmpi eq, %min3A_250, %min3A_257 : vector<16xi32>
      %and3A_412 = arith.andi %and3A_410, %eq3A_411 : vector<16xi1>
      %eq3A_413 = arith.cmpi eq, %get3A_221, %get3A_229 : vector<16xi32>
      %eq3A_414 = arith.cmpi eq, %get3A_221, %get3A_231 : vector<16xi32>
      %eq3A_415 = arith.cmpi eq, %get3A_221, %get3A_233 : vector<16xi32>
      %eq3A_416 = arith.cmpi eq, %get3A_221, %get3A_235 : vector<16xi32>
      %eq3A_417 = arith.cmpi eq, %get3A_223, %get3A_229 : vector<16xi32>
      %eq3A_418 = arith.cmpi eq, %get3A_223, %get3A_231 : vector<16xi32>
      %eq3A_419 = arith.cmpi eq, %get3A_223, %get3A_233 : vector<16xi32>
      %eq3A_420 = arith.cmpi eq, %get3A_223, %get3A_235 : vector<16xi32>
      %eq3A_421 = arith.cmpi eq, %get3A_225, %get3A_229 : vector<16xi32>
      %eq3A_422 = arith.cmpi eq, %get3A_225, %get3A_231 : vector<16xi32>
      %eq3A_423 = arith.cmpi eq, %get3A_225, %get3A_233 : vector<16xi32>
      %eq3A_424 = arith.cmpi eq, %get3A_225, %get3A_235 : vector<16xi32>
      %eq3A_425 = arith.cmpi eq, %get3A_227, %get3A_229 : vector<16xi32>
      %eq3A_426 = arith.cmpi eq, %get3A_227, %get3A_231 : vector<16xi32>
      %eq3A_427 = arith.cmpi eq, %get3A_227, %get3A_233 : vector<16xi32>
      %eq3A_428 = arith.cmpi eq, %get3A_227, %get3A_235 : vector<16xi32>
      %or3A_429 = arith.ori %eq3A_413, %eq3A_414 : vector<16xi1>
      %or3A_430 = arith.ori %or3A_429, %eq3A_415 : vector<16xi1>
      %or3A_431 = arith.ori %or3A_430, %eq3A_416 : vector<16xi1>
      %or3A_432 = arith.ori %or3A_431, %eq3A_417 : vector<16xi1>
      %or3A_433 = arith.ori %or3A_432, %eq3A_418 : vector<16xi1>
      %or3A_434 = arith.ori %or3A_433, %eq3A_419 : vector<16xi1>
      %or3A_435 = arith.ori %or3A_434, %eq3A_420 : vector<16xi1>
      %or3A_436 = arith.ori %or3A_435, %eq3A_421 : vector<16xi1>
      %or3A_437 = arith.ori %or3A_436, %eq3A_422 : vector<16xi1>
      %or3A_438 = arith.ori %or3A_437, %eq3A_423 : vector<16xi1>
      %or3A_439 = arith.ori %or3A_438, %eq3A_424 : vector<16xi1>
      %or3A_440 = arith.ori %or3A_439, %eq3A_425 : vector<16xi1>
      %or3A_441 = arith.ori %or3A_440, %eq3A_426 : vector<16xi1>
      %or3A_442 = arith.ori %or3A_441, %eq3A_427 : vector<16xi1>
      %or3A_443 = arith.ori %or3A_442, %eq3A_428 : vector<16xi1>
      %get3A_444 = arith.constant 96 : index
      %get3A_445 = tpu.vector_load %arg7[%get3A_444] {strides = array<i32>} : memref<528xi32, #tpu.memory_space<vmem>>, vector<16xi32>,
      %get3A_446 = arith.constant 352 : index
      %get3A_447 = tpu.vector_load %arg7[%get3A_446] {strides = array<i32>} : memref<528xi32, #tpu.memory_space<vmem>>, vector<16xi32>,
      %select_n3A_448 = arith.select %and3A_412, %broadcast_in_dim3A_5, %get3A_445 : vector<16xi1>, vector<16xi32>
      %or3A_449 = arith.ori %or3A_409, %select_n3A_448 : vector<16xi32>
      %select_n3A_450 = arith.select %or3A_443, %get3A_447, %broadcast_in_dim3A_5 : vector<16xi1>, vector<16xi32>
      %or3A_451 = arith.ori %or3A_449, %select_n3A_450 : vector<16xi32>
      %and3A_452 = arith.andi %eq3A_254, %eq3A_268 : vector<16xi1>
      %eq3A_453 = arith.cmpi eq, %min3A_250, %min3A_264 : vector<16xi32>
      %and3A_454 = arith.andi %and3A_452, %eq3A_453 : vector<16xi1>
      %eq3A_455 = arith.cmpi eq, %get3A_221, %get3A_237 : vector<16xi32>
      %eq3A_456 = arith.cmpi eq, %get3A_221, %get3A_239 : vector<16xi32>
      %eq3A_457 = arith.cmpi eq, %get3A_221, %get3A_241 : vector<16xi32>
      %eq3A_458 = arith.cmpi eq, %get3A_221, %get3A_243 : vector<16xi32>
      %eq3A_459 = arith.cmpi eq, %get3A_223, %get3A_237 : vector<16xi32>
      %eq3A_460 = arith.cmpi eq, %get3A_223, %get3A_239 : vector<16xi32>
      %eq3A_461 = arith.cmpi eq, %get3A_223, %get3A_241 : vector<16xi32>
      %eq3A_462 = arith.cmpi eq, %get3A_223, %get3A_243 : vector<16xi32>
      %eq3A_463 = arith.cmpi eq, %get3A_225, %get3A_237 : vector<16xi32>
      %eq3A_464 = arith.cmpi eq, %get3A_225, %get3A_239 : vector<16xi32>
      %eq3A_465 = arith.cmpi eq, %get3A_225, %get3A_241 : vector<16xi32>
      %eq3A_466 = arith.cmpi eq, %get3A_225, %get3A_243 : vector<16xi32>
      %eq3A_467 = arith.cmpi eq, %get3A_227, %get3A_237 : vector<16xi32>
      %eq3A_468 = arith.cmpi eq, %get3A_227, %get3A_239 : vector<16xi32>
      %eq3A_469 = arith.cmpi eq, %get3A_227, %get3A_241 : vector<16xi32>
      %eq3A_470 = arith.cmpi eq, %get3A_227, %get3A_243 : vector<16xi32>
      %or3A_471 = arith.ori %eq3A_455, %eq3A_456 : vector<16xi1>
      %or3A_472 = arith.ori %or3A_471, %eq3A_457 : vector<16xi1>
      %or3A_473 = arith.ori %or3A_472, %eq3A_458 : vector<16xi1>
      %or3A_474 = arith.ori %or3A_473, %eq3A_459 : vector<16xi1>
      %or3A_475 = arith.ori %or3A_474, %eq3A_460 : vector<16xi1>
      %or3A_476 = arith.ori %or3A_475, %eq3A_461 : vector<16xi1>
      %or3A_477 = arith.ori %or3A_476, %eq3A_462 : vector<16xi1>
      %or3A_478 = arith.ori %or3A_477, %eq3A_463 : vector<16xi1>
      %or3A_479 = arith.ori %or3A_478, %eq3A_464 : vector<16xi1>
      %or3A_480 = arith.ori %or3A_479, %eq3A_465 : vector<16xi1>
      %or3A_481 = arith.ori %or3A_480, %eq3A_466 : vector<16xi1>
      %or3A_482 = arith.ori %or3A_481, %eq3A_467 : vector<16xi1>
      %or3A_483 = arith.ori %or3A_482, %eq3A_468 : vector<16xi1>
      %or3A_484 = arith.ori %or3A_483, %eq3A_469 : vector<16xi1>
      %or3A_485 = arith.ori %or3A_484, %eq3A_470 : vector<16xi1>
      %get3A_486 = arith.constant 112 : index
      %get3A_487 = tpu.vector_load %arg7[%get3A_486] {strides = array<i32>} : memref<528xi32, #tpu.memory_space<vmem>>, vector<16xi32>,
      %get3A_488 = arith.constant 368 : index
      %get3A_489 = tpu.vector_load %arg7[%get3A_488] {strides = array<i32>} : memref<528xi32, #tpu.memory_space<vmem>>, vector<16xi32>,
      %select_n3A_490 = arith.select %and3A_454, %broadcast_in_dim3A_5, %get3A_487 : vector<16xi1>, vector<16xi32>
      %or3A_491 = arith.ori %or3A_451, %select_n3A_490 : vector<16xi32>
      %select_n3A_492 = arith.select %or3A_485, %get3A_489, %broadcast_in_dim3A_5 : vector<16xi1>, vector<16xi32>
      %or3A_493 = arith.ori %or3A_491, %select_n3A_492 : vector<16xi32>
      %and3A_494 = arith.andi %eq3A_261, %eq3A_268 : vector<16xi1>
      %eq3A_495 = arith.cmpi eq, %min3A_257, %min3A_264 : vector<16xi32>
      %and3A_496 = arith.andi %and3A_494, %eq3A_495 : vector<16xi1>
      %eq3A_497 = arith.cmpi eq, %get3A_229, %get3A_237 : vector<16xi32>
      %eq3A_498 = arith.cmpi eq, %get3A_229, %get3A_239 : vector<16xi32>
      %eq3A_499 = arith.cmpi eq, %get3A_229, %get3A_241 : vector<16xi32>
      %eq3A_500 = arith.cmpi eq, %get3A_229, %get3A_243 : vector<16xi32>
      %eq3A_501 = arith.cmpi eq, %get3A_231, %get3A_237 : vector<16xi32>
      %eq3A_502 = arith.cmpi eq, %get3A_231, %get3A_239 : vector<16xi32>
      %eq3A_503 = arith.cmpi eq, %get3A_231, %get3A_241 : vector<16xi32>
      %eq3A_504 = arith.cmpi eq, %get3A_231, %get3A_243 : vector<16xi32>
      %eq3A_505 = arith.cmpi eq, %get3A_233, %get3A_237 : vector<16xi32>
      %eq3A_506 = arith.cmpi eq, %get3A_233, %get3A_239 : vector<16xi32>
      %eq3A_507 = arith.cmpi eq, %get3A_233, %get3A_241 : vector<16xi32>
      %eq3A_508 = arith.cmpi eq, %get3A_233, %get3A_243 : vector<16xi32>
      %eq3A_509 = arith.cmpi eq, %get3A_235, %get3A_237 : vector<16xi32>
      %eq3A_510 = arith.cmpi eq, %get3A_235, %get3A_239 : vector<16xi32>
      %eq3A_511 = arith.cmpi eq, %get3A_235, %get3A_241 : vector<16xi32>
      %eq3A_512 = arith.cmpi eq, %get3A_235, %get3A_243 : vector<16xi32>
      %or3A_513 = arith.ori %eq3A_497, %eq3A_498 : vector<16xi1>
      %or3A_514 = arith.ori %or3A_513, %eq3A_499 : vector<16xi1>
      %or3A_515 = arith.ori %or3A_514, %eq3A_500 : vector<16xi1>
      %or3A_516 = arith.ori %or3A_515, %eq3A_501 : vector<16xi1>
      %or3A_517 = arith.ori %or3A_516, %eq3A_502 : vector<16xi1>
      %or3A_518 = arith.ori %or3A_517, %eq3A_503 : vector<16xi1>
      %or3A_519 = arith.ori %or3A_518, %eq3A_504 : vector<16xi1>
      %or3A_520 = arith.ori %or3A_519, %eq3A_505 : vector<16xi1>
      %or3A_521 = arith.ori %or3A_520, %eq3A_506 : vector<16xi1>
      %or3A_522 = arith.ori %or3A_521, %eq3A_507 : vector<16xi1>
      %or3A_523 = arith.ori %or3A_522, %eq3A_508 : vector<16xi1>
      %or3A_524 = arith.ori %or3A_523, %eq3A_509 : vector<16xi1>
      %or3A_525 = arith.ori %or3A_524, %eq3A_510 : vector<16xi1>
      %or3A_526 = arith.ori %or3A_525, %eq3A_511 : vector<16xi1>
      %or3A_527 = arith.ori %or3A_526, %eq3A_512 : vector<16xi1>
      %get3A_528 = arith.constant 176 : index
      %get3A_529 = tpu.vector_load %arg7[%get3A_528] {strides = array<i32>} : memref<528xi32, #tpu.memory_space<vmem>>, vector<16xi32>,
      %get3A_530 = arith.constant 432 : index
      %get3A_531 = tpu.vector_load %arg7[%get3A_530] {strides = array<i32>} : memref<528xi32, #tpu.memory_space<vmem>>, vector<16xi32>,
      %select_n3A_532 = arith.select %and3A_496, %broadcast_in_dim3A_5, %get3A_529 : vector<16xi1>, vector<16xi32>
      %or3A_533 = arith.ori %or3A_493, %select_n3A_532 : vector<16xi32>
      %select_n3A_534 = arith.select %or3A_527, %get3A_531, %broadcast_in_dim3A_5 : vector<16xi1>, vector<16xi32>
      %or3A_535 = arith.ori %or3A_533, %select_n3A_534 : vector<16xi32>
      %not3A = arith.constant dense<-1> : vector<16xi32>
      %not3A_536 = arith.xori %or3A_535, %not3A : vector<16xi32>
      %swap3A = arith.index_cast %mul3A_20 : i32 to index
      %swap3A_537 = tpu.vector_load %arg8[%swap3A] {strides = array<i32>} : memref<256xi32, #tpu.memory_space<vmem>>, vector<16xi32>,
      tpu.vector_store %arg8[%swap3A], %not3A_536 {strides = array<i32>} : memref<256xi32, #tpu.memory_space<vmem>>, vector<16xi32>,
    }
    %while3A_15 = arith.constant 1 : i32
    scf.for %while3A_18 = %while3A_13 to %while3A_9 step %while3A_15  : i32 {
      %mul3A_19 = arith.constant 16 : i32
      %mul3A_20 = arith.muli %while3A_18, %mul3A_19 : i32
      %add3A_21 = arith.constant 0 : i32
      %add3A_22 = arith.addi %mul3A_20, %add3A_21 : i32
      %mul3A_23 = arith.constant 16 : i32
      %mul3A_24 = arith.muli %add3A_22, %mul3A_23 : i32
      %get3A = arith.index_cast %mul3A_24 : i32 to index
      %get3A_25 = tpu.vector_load %arg5[%get3A] {strides = array<i32>} : memref<4096xi32, #tpu.memory_space<vmem>>, vector<16xi32>,
      %mul3A_26 = arith.constant 16 : i32
      %mul3A_27 = vector.broadcast %mul3A_26 : i32 to vector<16xi32>
      %mul3A_28 = arith.muli %iota3A, %mul3A_27 : vector<16xi32>
      %add3A_29 = arith.constant 0 : i32
      %add3A_30 = vector.broadcast %add3A_29 : i32 to vector<16xi32>
      %add3A_31 = arith.addi %mul3A_28, %add3A_30 : vector<16xi32>
      tpu.vector_store_idx %arg6[%add3A_31], %get3A_25 : memref<256xi32, #tpu.memory_space<vmem>>[vector<16xi32>], vector<16xi32>,
      %add3A_32 = arith.constant 1 : i32
      %add3A_33 = arith.addi %mul3A_20, %add3A_32 : i32
      %mul3A_34 = arith.constant 16 : i32
      %mul3A_35 = arith.muli %add3A_33, %mul3A_34 : i32
      %get3A_36 = arith.index_cast %mul3A_35 : i32 to index
      %get3A_37 = tpu.vector_load %arg5[%get3A_36] {strides = array<i32>} : memref<4096xi32, #tpu.memory_space<vmem>>, vector<16xi32>,
      %mul3A_38 = arith.constant 16 : i32
      %mul3A_39 = vector.broadcast %mul3A_38 : i32 to vector<16xi32>
      %mul3A_40 = arith.muli %iota3A, %mul3A_39 : vector<16xi32>
      %add3A_41 = arith.constant 1 : i32
      %add3A_42 = vector.broadcast %add3A_41 : i32 to vector<16xi32>
      %add3A_43 = arith.addi %mul3A_40, %add3A_42 : vector<16xi32>
      tpu.vector_store_idx %arg6[%add3A_43], %get3A_37 : memref<256xi32, #tpu.memory_space<vmem>>[vector<16xi32>], vector<16xi32>,
      %add3A_44 = arith.constant 2 : i32
      %add3A_45 = arith.addi %mul3A_20, %add3A_44 : i32
      %mul3A_46 = arith.constant 16 : i32
      %mul3A_47 = arith.muli %add3A_45, %mul3A_46 : i32
      %get3A_48 = arith.index_cast %mul3A_47 : i32 to index
      %get3A_49 = tpu.vector_load %arg5[%get3A_48] {strides = array<i32>} : memref<4096xi32, #tpu.memory_space<vmem>>, vector<16xi32>,
      %mul3A_50 = arith.constant 16 : i32
      %mul3A_51 = vector.broadcast %mul3A_50 : i32 to vector<16xi32>
      %mul3A_52 = arith.muli %iota3A, %mul3A_51 : vector<16xi32>
      %add3A_53 = arith.constant 2 : i32
      %add3A_54 = vector.broadcast %add3A_53 : i32 to vector<16xi32>
      %add3A_55 = arith.addi %mul3A_52, %add3A_54 : vector<16xi32>
      tpu.vector_store_idx %arg6[%add3A_55], %get3A_49 : memref<256xi32, #tpu.memory_space<vmem>>[vector<16xi32>], vector<16xi32>,
      %add3A_56 = arith.constant 3 : i32
      %add3A_57 = arith.addi %mul3A_20, %add3A_56 : i32
      %mul3A_58 = arith.constant 16 : i32
      %mul3A_59 = arith.muli %add3A_57, %mul3A_58 : i32
      %get3A_60 = arith.index_cast %mul3A_59 : i32 to index
      %get3A_61 = tpu.vector_load %arg5[%get3A_60] {strides = array<i32>} : memref<4096xi32, #tpu.memory_space<vmem>>, vector<16xi32>,
      %mul3A_62 = arith.constant 16 : i32
      %mul3A_63 = vector.broadcast %mul3A_62 : i32 to vector<16xi32>
      %mul3A_64 = arith.muli %iota3A, %mul3A_63 : vector<16xi32>
      %add3A_65 = arith.constant 3 : i32
      %add3A_66 = vector.broadcast %add3A_65 : i32 to vector<16xi32>
      %add3A_67 = arith.addi %mul3A_64, %add3A_66 : vector<16xi32>
      tpu.vector_store_idx %arg6[%add3A_67], %get3A_61 : memref<256xi32, #tpu.memory_space<vmem>>[vector<16xi32>], vector<16xi32>,
      %add3A_68 = arith.constant 4 : i32
      %add3A_69 = arith.addi %mul3A_20, %add3A_68 : i32
      %mul3A_70 = arith.constant 16 : i32
      %mul3A_71 = arith.muli %add3A_69, %mul3A_70 : i32
      %get3A_72 = arith.index_cast %mul3A_71 : i32 to index
      %get3A_73 = tpu.vector_load %arg5[%get3A_72] {strides = array<i32>} : memref<4096xi32, #tpu.memory_space<vmem>>, vector<16xi32>,
      %mul3A_74 = arith.constant 16 : i32
      %mul3A_75 = vector.broadcast %mul3A_74 : i32 to vector<16xi32>
      %mul3A_76 = arith.muli %iota3A, %mul3A_75 : vector<16xi32>
      %add3A_77 = arith.constant 4 : i32
      %add3A_78 = vector.broadcast %add3A_77 : i32 to vector<16xi32>
      %add3A_79 = arith.addi %mul3A_76, %add3A_78 : vector<16xi32>
      tpu.vector_store_idx %arg6[%add3A_79], %get3A_73 : memref<256xi32, #tpu.memory_space<vmem>>[vector<16xi32>], vector<16xi32>,
      %add3A_80 = arith.constant 5 : i32
      %add3A_81 = arith.addi %mul3A_20, %add3A_80 : i32
      %mul3A_82 = arith.constant 16 : i32
      %mul3A_83 = arith.muli %add3A_81, %mul3A_82 : i32
      %get3A_84 = arith.index_cast %mul3A_83 : i32 to index
      %get3A_85 = tpu.vector_load %arg5[%get3A_84] {strides = array<i32>} : memref<4096xi32, #tpu.memory_space<vmem>>, vector<16xi32>,
      %mul3A_86 = arith.constant 16 : i32
      %mul3A_87 = vector.broadcast %mul3A_86 : i32 to vector<16xi32>
      %mul3A_88 = arith.muli %iota3A, %mul3A_87 : vector<16xi32>
      %add3A_89 = arith.constant 5 : i32
      %add3A_90 = vector.broadcast %add3A_89 : i32 to vector<16xi32>
      %add3A_91 = arith.addi %mul3A_88, %add3A_90 : vector<16xi32>
      tpu.vector_store_idx %arg6[%add3A_91], %get3A_85 : memref<256xi32, #tpu.memory_space<vmem>>[vector<16xi32>], vector<16xi32>,
      %add3A_92 = arith.constant 6 : i32
      %add3A_93 = arith.addi %mul3A_20, %add3A_92 : i32
      %mul3A_94 = arith.constant 16 : i32
      %mul3A_95 = arith.muli %add3A_93, %mul3A_94 : i32
      %get3A_96 = arith.index_cast %mul3A_95 : i32 to index
      %get3A_97 = tpu.vector_load %arg5[%get3A_96] {strides = array<i32>} : memref<4096xi32, #tpu.memory_space<vmem>>, vector<16xi32>,
      %mul3A_98 = arith.constant 16 : i32
      %mul3A_99 = vector.broadcast %mul3A_98 : i32 to vector<16xi32>
      %mul3A_100 = arith.muli %iota3A, %mul3A_99 : vector<16xi32>
      %add3A_101 = arith.constant 6 : i32
      %add3A_102 = vector.broadcast %add3A_101 : i32 to vector<16xi32>
      %add3A_103 = arith.addi %mul3A_100, %add3A_102 : vector<16xi32>
      tpu.vector_store_idx %arg6[%add3A_103], %get3A_97 : memref<256xi32, #tpu.memory_space<vmem>>[vector<16xi32>], vector<16xi32>,
      %add3A_104 = arith.constant 7 : i32
      %add3A_105 = arith.addi %mul3A_20, %add3A_104 : i32
      %mul3A_106 = arith.constant 16 : i32
      %mul3A_107 = arith.muli %add3A_105, %mul3A_106 : i32
      %get3A_108 = arith.index_cast %mul3A_107 : i32 to index
      %get3A_109 = tpu.vector_load %arg5[%get3A_108] {strides = array<i32>} : memref<4096xi32, #tpu.memory_space<vmem>>, vector<16xi32>,
      %mul3A_110 = arith.constant 16 : i32
      %mul3A_111 = vector.broadcast %mul3A_110 : i32 to vector<16xi32>
      %mul3A_112 = arith.muli %iota3A, %mul3A_111 : vector<16xi32>
      %add3A_113 = arith.constant 7 : i32
      %add3A_114 = vector.broadcast %add3A_113 : i32 to vector<16xi32>
      %add3A_115 = arith.addi %mul3A_112, %add3A_114 : vector<16xi32>
      tpu.vector_store_idx %arg6[%add3A_115], %get3A_109 : memref<256xi32, #tpu.memory_space<vmem>>[vector<16xi32>], vector<16xi32>,
      %add3A_116 = arith.constant 8 : i32
      %add3A_117 = arith.addi %mul3A_20, %add3A_116 : i32
      %mul3A_118 = arith.constant 16 : i32
      %mul3A_119 = arith.muli %add3A_117, %mul3A_118 : i32
      %get3A_120 = arith.index_cast %mul3A_119 : i32 to index
      %get3A_121 = tpu.vector_load %arg5[%get3A_120] {strides = array<i32>} : memref<4096xi32, #tpu.memory_space<vmem>>, vector<16xi32>,
      %mul3A_122 = arith.constant 16 : i32
      %mul3A_123 = vector.broadcast %mul3A_122 : i32 to vector<16xi32>
      %mul3A_124 = arith.muli %iota3A, %mul3A_123 : vector<16xi32>
      %add3A_125 = arith.constant 8 : i32
      %add3A_126 = vector.broadcast %add3A_125 : i32 to vector<16xi32>
      %add3A_127 = arith.addi %mul3A_124, %add3A_126 : vector<16xi32>
      tpu.vector_store_idx %arg6[%add3A_127], %get3A_121 : memref<256xi32, #tpu.memory_space<vmem>>[vector<16xi32>], vector<16xi32>,
      %add3A_128 = arith.constant 9 : i32
      %add3A_129 = arith.addi %mul3A_20, %add3A_128 : i32
      %mul3A_130 = arith.constant 16 : i32
      %mul3A_131 = arith.muli %add3A_129, %mul3A_130 : i32
      %get3A_132 = arith.index_cast %mul3A_131 : i32 to index
      %get3A_133 = tpu.vector_load %arg5[%get3A_132] {strides = array<i32>} : memref<4096xi32, #tpu.memory_space<vmem>>, vector<16xi32>,
      %mul3A_134 = arith.constant 16 : i32
      %mul3A_135 = vector.broadcast %mul3A_134 : i32 to vector<16xi32>
      %mul3A_136 = arith.muli %iota3A, %mul3A_135 : vector<16xi32>
      %add3A_137 = arith.constant 9 : i32
      %add3A_138 = vector.broadcast %add3A_137 : i32 to vector<16xi32>
      %add3A_139 = arith.addi %mul3A_136, %add3A_138 : vector<16xi32>
      tpu.vector_store_idx %arg6[%add3A_139], %get3A_133 : memref<256xi32, #tpu.memory_space<vmem>>[vector<16xi32>], vector<16xi32>,
      %add3A_140 = arith.constant 10 : i32
      %add3A_141 = arith.addi %mul3A_20, %add3A_140 : i32
      %mul3A_142 = arith.constant 16 : i32
      %mul3A_143 = arith.muli %add3A_141, %mul3A_142 : i32
      %get3A_144 = arith.index_cast %mul3A_143 : i32 to index
      %get3A_145 = tpu.vector_load %arg5[%get3A_144] {strides = array<i32>} : memref<4096xi32, #tpu.memory_space<vmem>>, vector<16xi32>,
      %mul3A_146 = arith.constant 16 : i32
      %mul3A_147 = vector.broadcast %mul3A_146 : i32 to vector<16xi32>
      %mul3A_148 = arith.muli %iota3A, %mul3A_147 : vector<16xi32>
      %add3A_149 = arith.constant 10 : i32
      %add3A_150 = vector.broadcast %add3A_149 : i32 to vector<16xi32>
      %add3A_151 = arith.addi %mul3A_148, %add3A_150 : vector<16xi32>
      tpu.vector_store_idx %arg6[%add3A_151], %get3A_145 : memref<256xi32, #tpu.memory_space<vmem>>[vector<16xi32>], vector<16xi32>,
      %add3A_152 = arith.constant 11 : i32
      %add3A_153 = arith.addi %mul3A_20, %add3A_152 : i32
      %mul3A_154 = arith.constant 16 : i32
      %mul3A_155 = arith.muli %add3A_153, %mul3A_154 : i32
      %get3A_156 = arith.index_cast %mul3A_155 : i32 to index
      %get3A_157 = tpu.vector_load %arg5[%get3A_156] {strides = array<i32>} : memref<4096xi32, #tpu.memory_space<vmem>>, vector<16xi32>,
      %mul3A_158 = arith.constant 16 : i32
      %mul3A_159 = vector.broadcast %mul3A_158 : i32 to vector<16xi32>
      %mul3A_160 = arith.muli %iota3A, %mul3A_159 : vector<16xi32>
      %add3A_161 = arith.constant 11 : i32
      %add3A_162 = vector.broadcast %add3A_161 : i32 to vector<16xi32>
      %add3A_163 = arith.addi %mul3A_160, %add3A_162 : vector<16xi32>
      tpu.vector_store_idx %arg6[%add3A_163], %get3A_157 : memref<256xi32, #tpu.memory_space<vmem>>[vector<16xi32>], vector<16xi32>,
      %add3A_164 = arith.constant 12 : i32
      %add3A_165 = arith.addi %mul3A_20, %add3A_164 : i32
      %mul3A_166 = arith.constant 16 : i32
      %mul3A_167 = arith.muli %add3A_165, %mul3A_166 : i32
      %get3A_168 = arith.index_cast %mul3A_167 : i32 to index
      %get3A_169 = tpu.vector_load %arg5[%get3A_168] {strides = array<i32>} : memref<4096xi32, #tpu.memory_space<vmem>>, vector<16xi32>,
      %mul3A_170 = arith.constant 16 : i32
      %mul3A_171 = vector.broadcast %mul3A_170 : i32 to vector<16xi32>
      %mul3A_172 = arith.muli %iota3A, %mul3A_171 : vector<16xi32>
      %add3A_173 = arith.constant 12 : i32
      %add3A_174 = vector.broadcast %add3A_173 : i32 to vector<16xi32>
      %add3A_175 = arith.addi %mul3A_172, %add3A_174 : vector<16xi32>
      tpu.vector_store_idx %arg6[%add3A_175], %get3A_169 : memref<256xi32, #tpu.memory_space<vmem>>[vector<16xi32>], vector<16xi32>,
      %add3A_176 = arith.constant 13 : i32
      %add3A_177 = arith.addi %mul3A_20, %add3A_176 : i32
      %mul3A_178 = arith.constant 16 : i32
      %mul3A_179 = arith.muli %add3A_177, %mul3A_178 : i32
      %get3A_180 = arith.index_cast %mul3A_179 : i32 to index
      %get3A_181 = tpu.vector_load %arg5[%get3A_180] {strides = array<i32>} : memref<4096xi32, #tpu.memory_space<vmem>>, vector<16xi32>,
      %mul3A_182 = arith.constant 16 : i32
      %mul3A_183 = vector.broadcast %mul3A_182 : i32 to vector<16xi32>
      %mul3A_184 = arith.muli %iota3A, %mul3A_183 : vector<16xi32>
      %add3A_185 = arith.constant 13 : i32
      %add3A_186 = vector.broadcast %add3A_185 : i32 to vector<16xi32>
      %add3A_187 = arith.addi %mul3A_184, %add3A_186 : vector<16xi32>
      tpu.vector_store_idx %arg6[%add3A_187], %get3A_181 : memref<256xi32, #tpu.memory_space<vmem>>[vector<16xi32>], vector<16xi32>,
      %add3A_188 = arith.constant 14 : i32
      %add3A_189 = arith.addi %mul3A_20, %add3A_188 : i32
      %mul3A_190 = arith.constant 16 : i32
      %mul3A_191 = arith.muli %add3A_189, %mul3A_190 : i32
      %get3A_192 = arith.index_cast %mul3A_191 : i32 to index
      %get3A_193 = tpu.vector_load %arg5[%get3A_192] {strides = array<i32>} : memref<4096xi32, #tpu.memory_space<vmem>>, vector<16xi32>,
      %mul3A_194 = arith.constant 16 : i32
      %mul3A_195 = vector.broadcast %mul3A_194 : i32 to vector<16xi32>
      %mul3A_196 = arith.muli %iota3A, %mul3A_195 : vector<16xi32>
      %add3A_197 = arith.constant 14 : i32
      %add3A_198 = vector.broadcast %add3A_197 : i32 to vector<16xi32>
      %add3A_199 = arith.addi %mul3A_196, %add3A_198 : vector<16xi32>
      tpu.vector_store_idx %arg6[%add3A_199], %get3A_193 : memref<256xi32, #tpu.memory_space<vmem>>[vector<16xi32>], vector<16xi32>,
      %add3A_200 = arith.constant 15 : i32
      %add3A_201 = arith.addi %mul3A_20, %add3A_200 : i32
      %mul3A_202 = arith.constant 16 : i32
      %mul3A_203 = arith.muli %add3A_201, %mul3A_202 : i32
      %get3A_204 = arith.index_cast %mul3A_203 : i32 to index
      %get3A_205 = tpu.vector_load %arg5[%get3A_204] {strides = array<i32>} : memref<4096xi32, #tpu.memory_space<vmem>>, vector<16xi32>,
      %mul3A_206 = arith.constant 16 : i32
      %mul3A_207 = vector.broadcast %mul3A_206 : i32 to vector<16xi32>
      %mul3A_208 = arith.muli %iota3A, %mul3A_207 : vector<16xi32>
      %add3A_209 = arith.constant 15 : i32
      %add3A_210 = vector.broadcast %add3A_209 : i32 to vector<16xi32>
      %add3A_211 = arith.addi %mul3A_208, %add3A_210 : vector<16xi32>
      tpu.vector_store_idx %arg6[%add3A_211], %get3A_205 : memref<256xi32, #tpu.memory_space<vmem>>[vector<16xi32>], vector<16xi32>,
      %get3A_212 = arith.constant 0 : index
      %get3A_213 = tpu.vector_load %arg6[%get3A_212] {strides = array<i32>} : memref<256xi32, #tpu.memory_space<vmem>>, vector<16xi32>,
      %get3A_214 = arith.constant 16 : index
      %get3A_215 = tpu.vector_load %arg6[%get3A_214] {strides = array<i32>} : memref<256xi32, #tpu.memory_space<vmem>>, vector<16xi32>,
      %get3A_216 = arith.constant 32 : index
      %get3A_217 = tpu.vector_load %arg6[%get3A_216] {strides = array<i32>} : memref<256xi32, #tpu.memory_space<vmem>>, vector<16xi32>,
      %get3A_218 = arith.constant 48 : index
      %get3A_219 = tpu.vector_load %arg6[%get3A_218] {strides = array<i32>} : memref<256xi32, #tpu.memory_space<vmem>>, vector<16xi32>,
      %get3A_220 = arith.constant 64 : index
      %get3A_221 = tpu.vector_load %arg6[%get3A_220] {strides = array<i32>} : memref<256xi32, #tpu.memory_space<vmem>>, vector<16xi32>,
      %get3A_222 = arith.constant 80 : index
      %get3A_223 = tpu.vector_load %arg6[%get3A_222] {strides = array<i32>} : memref<256xi32, #tpu.memory_space<vmem>>, vector<16xi32>,
      %get3A_224 = arith.constant 96 : index
      %get3A_225 = tpu.vector_load %arg6[%get3A_224] {strides = array<i32>} : memref<256xi32, #tpu.memory_space<vmem>>, vector<16xi32>,
      %get3A_226 = arith.constant 112 : index
      %get3A_227 = tpu.vector_load %arg6[%get3A_226] {strides = array<i32>} : memref<256xi32, #tpu.memory_space<vmem>>, vector<16xi32>,
      %get3A_228 = arith.constant 128 : index
      %get3A_229 = tpu.vector_load %arg6[%get3A_228] {strides = array<i32>} : memref<256xi32, #tpu.memory_space<vmem>>, vector<16xi32>,
      %get3A_230 = arith.constant 144 : index
      %get3A_231 = tpu.vector_load %arg6[%get3A_230] {strides = array<i32>} : memref<256xi32, #tpu.memory_space<vmem>>, vector<16xi32>,
      %get3A_232 = arith.constant 160 : index
      %get3A_233 = tpu.vector_load %arg6[%get3A_232] {strides = array<i32>} : memref<256xi32, #tpu.memory_space<vmem>>, vector<16xi32>,
      %get3A_234 = arith.constant 176 : index
      %get3A_235 = tpu.vector_load %arg6[%get3A_234] {strides = array<i32>} : memref<256xi32, #tpu.memory_space<vmem>>, vector<16xi32>,
      %get3A_236 = arith.constant 192 : index
      %get3A_237 = tpu.vector_load %arg6[%get3A_236] {strides = array<i32>} : memref<256xi32, #tpu.memory_space<vmem>>, vector<16xi32>,
      %get3A_238 = arith.constant 208 : index
      %get3A_239 = tpu.vector_load %arg6[%get3A_238] {strides = array<i32>} : memref<256xi32, #tpu.memory_space<vmem>>, vector<16xi32>,
      %get3A_240 = arith.constant 224 : index
      %get3A_241 = tpu.vector_load %arg6[%get3A_240] {strides = array<i32>} : memref<256xi32, #tpu.memory_space<vmem>>, vector<16xi32>,
      %get3A_242 = arith.constant 240 : index
      %get3A_243 = tpu.vector_load %arg6[%get3A_242] {strides = array<i32>} : memref<256xi32, #tpu.memory_space<vmem>>, vector<16xi32>,
      %min3A = arith.minsi %get3A_213, %get3A_215 : vector<16xi32>
      %min3A_244 = arith.minsi %get3A_217, %get3A_219 : vector<16xi32>
      %min3A_245 = arith.minsi %min3A, %min3A_244 : vector<16xi32>
      %max3A = arith.maxsi %get3A_213, %get3A_215 : vector<16xi32>
      %max3A_246 = arith.maxsi %get3A_217, %get3A_219 : vector<16xi32>
      %max3A_247 = arith.maxsi %max3A, %max3A_246 : vector<16xi32>
      %eq3A = arith.cmpi eq, %min3A_245, %max3A_247 : vector<16xi32>
      %min3A_248 = arith.minsi %get3A_221, %get3A_223 : vector<16xi32>
      %min3A_249 = arith.minsi %get3A_225, %get3A_227 : vector<16xi32>
      %min3A_250 = arith.minsi %min3A_248, %min3A_249 : vector<16xi32>
      %max3A_251 = arith.maxsi %get3A_221, %get3A_223 : vector<16xi32>
      %max3A_252 = arith.maxsi %get3A_225, %get3A_227 : vector<16xi32>
      %max3A_253 = arith.maxsi %max3A_251, %max3A_252 : vector<16xi32>
      %eq3A_254 = arith.cmpi eq, %min3A_250, %max3A_253 : vector<16xi32>
      %min3A_255 = arith.minsi %get3A_229, %get3A_231 : vector<16xi32>
      %min3A_256 = arith.minsi %get3A_233, %get3A_235 : vector<16xi32>
      %min3A_257 = arith.minsi %min3A_255, %min3A_256 : vector<16xi32>
      %max3A_258 = arith.maxsi %get3A_229, %get3A_231 : vector<16xi32>
      %max3A_259 = arith.maxsi %get3A_233, %get3A_235 : vector<16xi32>
      %max3A_260 = arith.maxsi %max3A_258, %max3A_259 : vector<16xi32>
      %eq3A_261 = arith.cmpi eq, %min3A_257, %max3A_260 : vector<16xi32>
      %min3A_262 = arith.minsi %get3A_237, %get3A_239 : vector<16xi32>
      %min3A_263 = arith.minsi %get3A_241, %get3A_243 : vector<16xi32>
      %min3A_264 = arith.minsi %min3A_262, %min3A_263 : vector<16xi32>
      %max3A_265 = arith.maxsi %get3A_237, %get3A_239 : vector<16xi32>
      %max3A_266 = arith.maxsi %get3A_241, %get3A_243 : vector<16xi32>
      %max3A_267 = arith.maxsi %max3A_265, %max3A_266 : vector<16xi32>
      %eq3A_268 = arith.cmpi eq, %min3A_264, %max3A_267 : vector<16xi32>
      %get3A_269 = arith.constant 512 : index
      %get3A_270 = tpu.vector_load %arg7[%get3A_269] {strides = array<i32>} : memref<528xi32, #tpu.memory_space<vmem>>, vector<16xi32>,
      %get3A_271 = arith.constant 0 : index
      %get3A_272 = tpu.vector_load %arg7[%get3A_271] {strides = array<i32>} : memref<528xi32, #tpu.memory_space<vmem>>, vector<16xi32>,
      %select_n3A = arith.select %eq3A, %broadcast_in_dim3A_5, %get3A_272 : vector<16xi1>, vector<16xi32>
      %or3A = arith.ori %get3A_270, %select_n3A : vector<16xi32>
      %get3A_273 = arith.constant 80 : index
      %get3A_274 = tpu.vector_load %arg7[%get3A_273] {strides = array<i32>} : memref<528xi32, #tpu.memory_space<vmem>>, vector<16xi32>,
      %select_n3A_275 = arith.select %eq3A_254, %broadcast_in_dim3A_5, %get3A_274 : vector<16xi1>, vector<16xi32>
      %or3A_276 = arith.ori %or3A, %select_n3A_275 : vector<16xi32>
      %get3A_277 = arith.constant 160 : index
      %get3A_278 = tpu.vector_load %arg7[%get3A_277] {strides = array<i32>} : memref<528xi32, #tpu.memory_space<vmem>>, vector<16xi32>,
      %select_n3A_279 = arith.select %eq3A_261, %broadcast_in_dim3A_5, %get3A_278 : vector<16xi1>, vector<16xi32>
      %or3A_280 = arith.ori %or3A_276, %select_n3A_279 : vector<16xi32>
      %get3A_281 = arith.constant 240 : index
      %get3A_282 = tpu.vector_load %arg7[%get3A_281] {strides = array<i32>} : memref<528xi32, #tpu.memory_space<vmem>>, vector<16xi32>,
      %select_n3A_283 = arith.select %eq3A_268, %broadcast_in_dim3A_5, %get3A_282 : vector<16xi1>, vector<16xi32>
      %or3A_284 = arith.ori %or3A_280, %select_n3A_283 : vector<16xi32>
      %and3A = arith.andi %eq3A, %eq3A_254 : vector<16xi1>
      %eq3A_285 = arith.cmpi eq, %min3A_245, %min3A_250 : vector<16xi32>
      %and3A_286 = arith.andi %and3A, %eq3A_285 : vector<16xi1>
      %eq3A_287 = arith.cmpi eq, %get3A_213, %get3A_221 : vector<16xi32>
      %eq3A_288 = arith.cmpi eq, %get3A_213, %get3A_223 : vector<16xi32>
      %eq3A_289 = arith.cmpi eq, %get3A_213, %get3A_225 : vector<16xi32>
      %eq3A_290 = arith.cmpi eq, %get3A_213, %get3A_227 : vector<16xi32>
      %eq3A_291 = arith.cmpi eq, %get3A_215, %get3A_221 : vector<16xi32>
      %eq3A_292 = arith.cmpi eq, %get3A_215, %get3A_223 : vector<16xi32>
      %eq3A_293 = arith.cmpi eq, %get3A_215, %get3A_225 : vector<16xi32>
      %eq3A_294 = arith.cmpi eq, %get3A_215, %get3A_227 : vector<16xi32>
      %eq3A_295 = arith.cmpi eq, %get3A_217, %get3A_221 : vector<16xi32>
      %eq3A_296 = arith.cmpi eq, %get3A_217, %get3A_223 : vector<16xi32>
      %eq3A_297 = arith.cmpi eq, %get3A_217, %get3A_225 : vector<16xi32>
      %eq3A_298 = arith.cmpi eq, %get3A_217, %get3A_227 : vector<16xi32>
      %eq3A_299 = arith.cmpi eq, %get3A_219, %get3A_221 : vector<16xi32>
      %eq3A_300 = arith.cmpi eq, %get3A_219, %get3A_223 : vector<16xi32>
      %eq3A_301 = arith.cmpi eq, %get3A_219, %get3A_225 : vector<16xi32>
      %eq3A_302 = arith.cmpi eq, %get3A_219, %get3A_227 : vector<16xi32>
      %or3A_303 = arith.ori %eq3A_287, %eq3A_288 : vector<16xi1>
      %or3A_304 = arith.ori %or3A_303, %eq3A_289 : vector<16xi1>
      %or3A_305 = arith.ori %or3A_304, %eq3A_290 : vector<16xi1>
      %or3A_306 = arith.ori %or3A_305, %eq3A_291 : vector<16xi1>
      %or3A_307 = arith.ori %or3A_306, %eq3A_292 : vector<16xi1>
      %or3A_308 = arith.ori %or3A_307, %eq3A_293 : vector<16xi1>
      %or3A_309 = arith.ori %or3A_308, %eq3A_294 : vector<16xi1>
      %or3A_310 = arith.ori %or3A_309, %eq3A_295 : vector<16xi1>
      %or3A_311 = arith.ori %or3A_310, %eq3A_296 : vector<16xi1>
      %or3A_312 = arith.ori %or3A_311, %eq3A_297 : vector<16xi1>
      %or3A_313 = arith.ori %or3A_312, %eq3A_298 : vector<16xi1>
      %or3A_314 = arith.ori %or3A_313, %eq3A_299 : vector<16xi1>
      %or3A_315 = arith.ori %or3A_314, %eq3A_300 : vector<16xi1>
      %or3A_316 = arith.ori %or3A_315, %eq3A_301 : vector<16xi1>
      %or3A_317 = arith.ori %or3A_316, %eq3A_302 : vector<16xi1>
      %get3A_318 = arith.constant 16 : index
      %get3A_319 = tpu.vector_load %arg7[%get3A_318] {strides = array<i32>} : memref<528xi32, #tpu.memory_space<vmem>>, vector<16xi32>,
      %get3A_320 = arith.constant 272 : index
      %get3A_321 = tpu.vector_load %arg7[%get3A_320] {strides = array<i32>} : memref<528xi32, #tpu.memory_space<vmem>>, vector<16xi32>,
      %select_n3A_322 = arith.select %and3A_286, %broadcast_in_dim3A_5, %get3A_319 : vector<16xi1>, vector<16xi32>
      %or3A_323 = arith.ori %or3A_284, %select_n3A_322 : vector<16xi32>
      %select_n3A_324 = arith.select %or3A_317, %get3A_321, %broadcast_in_dim3A_5 : vector<16xi1>, vector<16xi32>
      %or3A_325 = arith.ori %or3A_323, %select_n3A_324 : vector<16xi32>
      %and3A_326 = arith.andi %eq3A, %eq3A_261 : vector<16xi1>
      %eq3A_327 = arith.cmpi eq, %min3A_245, %min3A_257 : vector<16xi32>
      %and3A_328 = arith.andi %and3A_326, %eq3A_327 : vector<16xi1>
      %eq3A_329 = arith.cmpi eq, %get3A_213, %get3A_229 : vector<16xi32>
      %eq3A_330 = arith.cmpi eq, %get3A_213, %get3A_231 : vector<16xi32>
      %eq3A_331 = arith.cmpi eq, %get3A_213, %get3A_233 : vector<16xi32>
      %eq3A_332 = arith.cmpi eq, %get3A_213, %get3A_235 : vector<16xi32>
      %eq3A_333 = arith.cmpi eq, %get3A_215, %get3A_229 : vector<16xi32>
      %eq3A_334 = arith.cmpi eq, %get3A_215, %get3A_231 : vector<16xi32>
      %eq3A_335 = arith.cmpi eq, %get3A_215, %get3A_233 : vector<16xi32>
      %eq3A_336 = arith.cmpi eq, %get3A_215, %get3A_235 : vector<16xi32>
      %eq3A_337 = arith.cmpi eq, %get3A_217, %get3A_229 : vector<16xi32>
      %eq3A_338 = arith.cmpi eq, %get3A_217, %get3A_231 : vector<16xi32>
      %eq3A_339 = arith.cmpi eq, %get3A_217, %get3A_233 : vector<16xi32>
      %eq3A_340 = arith.cmpi eq, %get3A_217, %get3A_235 : vector<16xi32>
      %eq3A_341 = arith.cmpi eq, %get3A_219, %get3A_229 : vector<16xi32>
      %eq3A_342 = arith.cmpi eq, %get3A_219, %get3A_231 : vector<16xi32>
      %eq3A_343 = arith.cmpi eq, %get3A_219, %get3A_233 : vector<16xi32>
      %eq3A_344 = arith.cmpi eq, %get3A_219, %get3A_235 : vector<16xi32>
      %or3A_345 = arith.ori %eq3A_329, %eq3A_330 : vector<16xi1>
      %or3A_346 = arith.ori %or3A_345, %eq3A_331 : vector<16xi1>
      %or3A_347 = arith.ori %or3A_346, %eq3A_332 : vector<16xi1>
      %or3A_348 = arith.ori %or3A_347, %eq3A_333 : vector<16xi1>
      %or3A_349 = arith.ori %or3A_348, %eq3A_334 : vector<16xi1>
      %or3A_350 = arith.ori %or3A_349, %eq3A_335 : vector<16xi1>
      %or3A_351 = arith.ori %or3A_350, %eq3A_336 : vector<16xi1>
      %or3A_352 = arith.ori %or3A_351, %eq3A_337 : vector<16xi1>
      %or3A_353 = arith.ori %or3A_352, %eq3A_338 : vector<16xi1>
      %or3A_354 = arith.ori %or3A_353, %eq3A_339 : vector<16xi1>
      %or3A_355 = arith.ori %or3A_354, %eq3A_340 : vector<16xi1>
      %or3A_356 = arith.ori %or3A_355, %eq3A_341 : vector<16xi1>
      %or3A_357 = arith.ori %or3A_356, %eq3A_342 : vector<16xi1>
      %or3A_358 = arith.ori %or3A_357, %eq3A_343 : vector<16xi1>
      %or3A_359 = arith.ori %or3A_358, %eq3A_344 : vector<16xi1>
      %get3A_360 = arith.constant 32 : index
      %get3A_361 = tpu.vector_load %arg7[%get3A_360] {strides = array<i32>} : memref<528xi32, #tpu.memory_space<vmem>>, vector<16xi32>,
      %get3A_362 = arith.constant 288 : index
      %get3A_363 = tpu.vector_load %arg7[%get3A_362] {strides = array<i32>} : memref<528xi32, #tpu.memory_space<vmem>>, vector<16xi32>,
      %select_n3A_364 = arith.select %and3A_328, %broadcast_in_dim3A_5, %get3A_361 : vector<16xi1>, vector<16xi32>
      %or3A_365 = arith.ori %or3A_325, %select_n3A_364 : vector<16xi32>
      %select_n3A_366 = arith.select %or3A_359, %get3A_363, %broadcast_in_dim3A_5 : vector<16xi1>, vector<16xi32>
      %or3A_367 = arith.ori %or3A_365, %select_n3A_366 : vector<16xi32>
      %and3A_368 = arith.andi %eq3A, %eq3A_268 : vector<16xi1>
      %eq3A_369 = arith.cmpi eq, %min3A_245, %min3A_264 : vector<16xi32>
      %and3A_370 = arith.andi %and3A_368, %eq3A_369 : vector<16xi1>
      %eq3A_371 = arith.cmpi eq, %get3A_213, %get3A_237 : vector<16xi32>
      %eq3A_372 = arith.cmpi eq, %get3A_213, %get3A_239 : vector<16xi32>
      %eq3A_373 = arith.cmpi eq, %get3A_213, %get3A_241 : vector<16xi32>
      %eq3A_374 = arith.cmpi eq, %get3A_213, %get3A_243 : vector<16xi32>
      %eq3A_375 = arith.cmpi eq, %get3A_215, %get3A_237 : vector<16xi32>
      %eq3A_376 = arith.cmpi eq, %get3A_215, %get3A_239 : vector<16xi32>
      %eq3A_377 = arith.cmpi eq, %get3A_215, %get3A_241 : vector<16xi32>
      %eq3A_378 = arith.cmpi eq, %get3A_215, %get3A_243 : vector<16xi32>
      %eq3A_379 = arith.cmpi eq, %get3A_217, %get3A_237 : vector<16xi32>
      %eq3A_380 = arith.cmpi eq, %get3A_217, %get3A_239 : vector<16xi32>
      %eq3A_381 = arith.cmpi eq, %get3A_217, %get3A_241 : vector<16xi32>
      %eq3A_382 = arith.cmpi eq, %get3A_217, %get3A_243 : vector<16xi32>
      %eq3A_383 = arith.cmpi eq, %get3A_219, %get3A_237 : vector<16xi32>
      %eq3A_384 = arith.cmpi eq, %get3A_219, %get3A_239 : vector<16xi32>
      %eq3A_385 = arith.cmpi eq, %get3A_219, %get3A_241 : vector<16xi32>
      %eq3A_386 = arith.cmpi eq, %get3A_219, %get3A_243 : vector<16xi32>
      %or3A_387 = arith.ori %eq3A_371, %eq3A_372 : vector<16xi1>
      %or3A_388 = arith.ori %or3A_387, %eq3A_373 : vector<16xi1>
      %or3A_389 = arith.ori %or3A_388, %eq3A_374 : vector<16xi1>
      %or3A_390 = arith.ori %or3A_389, %eq3A_375 : vector<16xi1>
      %or3A_391 = arith.ori %or3A_390, %eq3A_376 : vector<16xi1>
      %or3A_392 = arith.ori %or3A_391, %eq3A_377 : vector<16xi1>
      %or3A_393 = arith.ori %or3A_392, %eq3A_378 : vector<16xi1>
      %or3A_394 = arith.ori %or3A_393, %eq3A_379 : vector<16xi1>
      %or3A_395 = arith.ori %or3A_394, %eq3A_380 : vector<16xi1>
      %or3A_396 = arith.ori %or3A_395, %eq3A_381 : vector<16xi1>
      %or3A_397 = arith.ori %or3A_396, %eq3A_382 : vector<16xi1>
      %or3A_398 = arith.ori %or3A_397, %eq3A_383 : vector<16xi1>
      %or3A_399 = arith.ori %or3A_398, %eq3A_384 : vector<16xi1>
      %or3A_400 = arith.ori %or3A_399, %eq3A_385 : vector<16xi1>
      %or3A_401 = arith.ori %or3A_400, %eq3A_386 : vector<16xi1>
      %get3A_402 = arith.constant 48 : index
      %get3A_403 = tpu.vector_load %arg7[%get3A_402] {strides = array<i32>} : memref<528xi32, #tpu.memory_space<vmem>>, vector<16xi32>,
      %get3A_404 = arith.constant 304 : index
      %get3A_405 = tpu.vector_load %arg7[%get3A_404] {strides = array<i32>} : memref<528xi32, #tpu.memory_space<vmem>>, vector<16xi32>,
      %select_n3A_406 = arith.select %and3A_370, %broadcast_in_dim3A_5, %get3A_403 : vector<16xi1>, vector<16xi32>
      %or3A_407 = arith.ori %or3A_367, %select_n3A_406 : vector<16xi32>
      %select_n3A_408 = arith.select %or3A_401, %get3A_405, %broadcast_in_dim3A_5 : vector<16xi1>, vector<16xi32>
      %or3A_409 = arith.ori %or3A_407, %select_n3A_408 : vector<16xi32>
      %and3A_410 = arith.andi %eq3A_254, %eq3A_261 : vector<16xi1>
      %eq3A_411 = arith.cmpi eq, %min3A_250, %min3A_257 : vector<16xi32>
      %and3A_412 = arith.andi %and3A_410, %eq3A_411 : vector<16xi1>
      %eq3A_413 = arith.cmpi eq, %get3A_221, %get3A_229 : vector<16xi32>
      %eq3A_414 = arith.cmpi eq, %get3A_221, %get3A_231 : vector<16xi32>
      %eq3A_415 = arith.cmpi eq, %get3A_221, %get3A_233 : vector<16xi32>
      %eq3A_416 = arith.cmpi eq, %get3A_221, %get3A_235 : vector<16xi32>
      %eq3A_417 = arith.cmpi eq, %get3A_223, %get3A_229 : vector<16xi32>
      %eq3A_418 = arith.cmpi eq, %get3A_223, %get3A_231 : vector<16xi32>
      %eq3A_419 = arith.cmpi eq, %get3A_223, %get3A_233 : vector<16xi32>
      %eq3A_420 = arith.cmpi eq, %get3A_223, %get3A_235 : vector<16xi32>
      %eq3A_421 = arith.cmpi eq, %get3A_225, %get3A_229 : vector<16xi32>
      %eq3A_422 = arith.cmpi eq, %get3A_225, %get3A_231 : vector<16xi32>
      %eq3A_423 = arith.cmpi eq, %get3A_225, %get3A_233 : vector<16xi32>
      %eq3A_424 = arith.cmpi eq, %get3A_225, %get3A_235 : vector<16xi32>
      %eq3A_425 = arith.cmpi eq, %get3A_227, %get3A_229 : vector<16xi32>
      %eq3A_426 = arith.cmpi eq, %get3A_227, %get3A_231 : vector<16xi32>
      %eq3A_427 = arith.cmpi eq, %get3A_227, %get3A_233 : vector<16xi32>
      %eq3A_428 = arith.cmpi eq, %get3A_227, %get3A_235 : vector<16xi32>
      %or3A_429 = arith.ori %eq3A_413, %eq3A_414 : vector<16xi1>
      %or3A_430 = arith.ori %or3A_429, %eq3A_415 : vector<16xi1>
      %or3A_431 = arith.ori %or3A_430, %eq3A_416 : vector<16xi1>
      %or3A_432 = arith.ori %or3A_431, %eq3A_417 : vector<16xi1>
      %or3A_433 = arith.ori %or3A_432, %eq3A_418 : vector<16xi1>
      %or3A_434 = arith.ori %or3A_433, %eq3A_419 : vector<16xi1>
      %or3A_435 = arith.ori %or3A_434, %eq3A_420 : vector<16xi1>
      %or3A_436 = arith.ori %or3A_435, %eq3A_421 : vector<16xi1>
      %or3A_437 = arith.ori %or3A_436, %eq3A_422 : vector<16xi1>
      %or3A_438 = arith.ori %or3A_437, %eq3A_423 : vector<16xi1>
      %or3A_439 = arith.ori %or3A_438, %eq3A_424 : vector<16xi1>
      %or3A_440 = arith.ori %or3A_439, %eq3A_425 : vector<16xi1>
      %or3A_441 = arith.ori %or3A_440, %eq3A_426 : vector<16xi1>
      %or3A_442 = arith.ori %or3A_441, %eq3A_427 : vector<16xi1>
      %or3A_443 = arith.ori %or3A_442, %eq3A_428 : vector<16xi1>
      %get3A_444 = arith.constant 96 : index
      %get3A_445 = tpu.vector_load %arg7[%get3A_444] {strides = array<i32>} : memref<528xi32, #tpu.memory_space<vmem>>, vector<16xi32>,
      %get3A_446 = arith.constant 352 : index
      %get3A_447 = tpu.vector_load %arg7[%get3A_446] {strides = array<i32>} : memref<528xi32, #tpu.memory_space<vmem>>, vector<16xi32>,
      %select_n3A_448 = arith.select %and3A_412, %broadcast_in_dim3A_5, %get3A_445 : vector<16xi1>, vector<16xi32>
      %or3A_449 = arith.ori %or3A_409, %select_n3A_448 : vector<16xi32>
      %select_n3A_450 = arith.select %or3A_443, %get3A_447, %broadcast_in_dim3A_5 : vector<16xi1>, vector<16xi32>
      %or3A_451 = arith.ori %or3A_449, %select_n3A_450 : vector<16xi32>
      %and3A_452 = arith.andi %eq3A_254, %eq3A_268 : vector<16xi1>
      %eq3A_453 = arith.cmpi eq, %min3A_250, %min3A_264 : vector<16xi32>
      %and3A_454 = arith.andi %and3A_452, %eq3A_453 : vector<16xi1>
      %eq3A_455 = arith.cmpi eq, %get3A_221, %get3A_237 : vector<16xi32>
      %eq3A_456 = arith.cmpi eq, %get3A_221, %get3A_239 : vector<16xi32>
      %eq3A_457 = arith.cmpi eq, %get3A_221, %get3A_241 : vector<16xi32>
      %eq3A_458 = arith.cmpi eq, %get3A_221, %get3A_243 : vector<16xi32>
      %eq3A_459 = arith.cmpi eq, %get3A_223, %get3A_237 : vector<16xi32>
      %eq3A_460 = arith.cmpi eq, %get3A_223, %get3A_239 : vector<16xi32>
      %eq3A_461 = arith.cmpi eq, %get3A_223, %get3A_241 : vector<16xi32>
      %eq3A_462 = arith.cmpi eq, %get3A_223, %get3A_243 : vector<16xi32>
      %eq3A_463 = arith.cmpi eq, %get3A_225, %get3A_237 : vector<16xi32>
      %eq3A_464 = arith.cmpi eq, %get3A_225, %get3A_239 : vector<16xi32>
      %eq3A_465 = arith.cmpi eq, %get3A_225, %get3A_241 : vector<16xi32>
      %eq3A_466 = arith.cmpi eq, %get3A_225, %get3A_243 : vector<16xi32>
      %eq3A_467 = arith.cmpi eq, %get3A_227, %get3A_237 : vector<16xi32>
      %eq3A_468 = arith.cmpi eq, %get3A_227, %get3A_239 : vector<16xi32>
      %eq3A_469 = arith.cmpi eq, %get3A_227, %get3A_241 : vector<16xi32>
      %eq3A_470 = arith.cmpi eq, %get3A_227, %get3A_243 : vector<16xi32>
      %or3A_471 = arith.ori %eq3A_455, %eq3A_456 : vector<16xi1>
      %or3A_472 = arith.ori %or3A_471, %eq3A_457 : vector<16xi1>
      %or3A_473 = arith.ori %or3A_472, %eq3A_458 : vector<16xi1>
      %or3A_474 = arith.ori %or3A_473, %eq3A_459 : vector<16xi1>
      %or3A_475 = arith.ori %or3A_474, %eq3A_460 : vector<16xi1>
      %or3A_476 = arith.ori %or3A_475, %eq3A_461 : vector<16xi1>
      %or3A_477 = arith.ori %or3A_476, %eq3A_462 : vector<16xi1>
      %or3A_478 = arith.ori %or3A_477, %eq3A_463 : vector<16xi1>
      %or3A_479 = arith.ori %or3A_478, %eq3A_464 : vector<16xi1>
      %or3A_480 = arith.ori %or3A_479, %eq3A_465 : vector<16xi1>
      %or3A_481 = arith.ori %or3A_480, %eq3A_466 : vector<16xi1>
      %or3A_482 = arith.ori %or3A_481, %eq3A_467 : vector<16xi1>
      %or3A_483 = arith.ori %or3A_482, %eq3A_468 : vector<16xi1>
      %or3A_484 = arith.ori %or3A_483, %eq3A_469 : vector<16xi1>
      %or3A_485 = arith.ori %or3A_484, %eq3A_470 : vector<16xi1>
      %get3A_486 = arith.constant 112 : index
      %get3A_487 = tpu.vector_load %arg7[%get3A_486] {strides = array<i32>} : memref<528xi32, #tpu.memory_space<vmem>>, vector<16xi32>,
      %get3A_488 = arith.constant 368 : index
      %get3A_489 = tpu.vector_load %arg7[%get3A_488] {strides = array<i32>} : memref<528xi32, #tpu.memory_space<vmem>>, vector<16xi32>,
      %select_n3A_490 = arith.select %and3A_454, %broadcast_in_dim3A_5, %get3A_487 : vector<16xi1>, vector<16xi32>
      %or3A_491 = arith.ori %or3A_451, %select_n3A_490 : vector<16xi32>
      %select_n3A_492 = arith.select %or3A_485, %get3A_489, %broadcast_in_dim3A_5 : vector<16xi1>, vector<16xi32>
      %or3A_493 = arith.ori %or3A_491, %select_n3A_492 : vector<16xi32>
      %and3A_494 = arith.andi %eq3A_261, %eq3A_268 : vector<16xi1>
      %eq3A_495 = arith.cmpi eq, %min3A_257, %min3A_264 : vector<16xi32>
      %and3A_496 = arith.andi %and3A_494, %eq3A_495 : vector<16xi1>
      %eq3A_497 = arith.cmpi eq, %get3A_229, %get3A_237 : vector<16xi32>
      %eq3A_498 = arith.cmpi eq, %get3A_229, %get3A_239 : vector<16xi32>
      %eq3A_499 = arith.cmpi eq, %get3A_229, %get3A_241 : vector<16xi32>
      %eq3A_500 = arith.cmpi eq, %get3A_229, %get3A_243 : vector<16xi32>
      %eq3A_501 = arith.cmpi eq, %get3A_231, %get3A_237 : vector<16xi32>
      %eq3A_502 = arith.cmpi eq, %get3A_231, %get3A_239 : vector<16xi32>
      %eq3A_503 = arith.cmpi eq, %get3A_231, %get3A_241 : vector<16xi32>
      %eq3A_504 = arith.cmpi eq, %get3A_231, %get3A_243 : vector<16xi32>
      %eq3A_505 = arith.cmpi eq, %get3A_233, %get3A_237 : vector<16xi32>
      %eq3A_506 = arith.cmpi eq, %get3A_233, %get3A_239 : vector<16xi32>
      %eq3A_507 = arith.cmpi eq, %get3A_233, %get3A_241 : vector<16xi32>
      %eq3A_508 = arith.cmpi eq, %get3A_233, %get3A_243 : vector<16xi32>
      %eq3A_509 = arith.cmpi eq, %get3A_235, %get3A_237 : vector<16xi32>
      %eq3A_510 = arith.cmpi eq, %get3A_235, %get3A_239 : vector<16xi32>
      %eq3A_511 = arith.cmpi eq, %get3A_235, %get3A_241 : vector<16xi32>
      %eq3A_512 = arith.cmpi eq, %get3A_235, %get3A_243 : vector<16xi32>
      %or3A_513 = arith.ori %eq3A_497, %eq3A_498 : vector<16xi1>
      %or3A_514 = arith.ori %or3A_513, %eq3A_499 : vector<16xi1>
      %or3A_515 = arith.ori %or3A_514, %eq3A_500 : vector<16xi1>
      %or3A_516 = arith.ori %or3A_515, %eq3A_501 : vector<16xi1>
      %or3A_517 = arith.ori %or3A_516, %eq3A_502 : vector<16xi1>
      %or3A_518 = arith.ori %or3A_517, %eq3A_503 : vector<16xi1>
      %or3A_519 = arith.ori %or3A_518, %eq3A_504 : vector<16xi1>
      %or3A_520 = arith.ori %or3A_519, %eq3A_505 : vector<16xi1>
      %or3A_521 = arith.ori %or3A_520, %eq3A_506 : vector<16xi1>
      %or3A_522 = arith.ori %or3A_521, %eq3A_507 : vector<16xi1>
      %or3A_523 = arith.ori %or3A_522, %eq3A_508 : vector<16xi1>
      %or3A_524 = arith.ori %or3A_523, %eq3A_509 : vector<16xi1>
      %or3A_525 = arith.ori %or3A_524, %eq3A_510 : vector<16xi1>
      %or3A_526 = arith.ori %or3A_525, %eq3A_511 : vector<16xi1>
      %or3A_527 = arith.ori %or3A_526, %eq3A_512 : vector<16xi1>
      %get3A_528 = arith.constant 176 : index
      %get3A_529 = tpu.vector_load %arg7[%get3A_528] {strides = array<i32>} : memref<528xi32, #tpu.memory_space<vmem>>, vector<16xi32>,
      %get3A_530 = arith.constant 432 : index
      %get3A_531 = tpu.vector_load %arg7[%get3A_530] {strides = array<i32>} : memref<528xi32, #tpu.memory_space<vmem>>, vector<16xi32>,
      %select_n3A_532 = arith.select %and3A_496, %broadcast_in_dim3A_5, %get3A_529 : vector<16xi1>, vector<16xi32>
      %or3A_533 = arith.ori %or3A_493, %select_n3A_532 : vector<16xi32>
      %select_n3A_534 = arith.select %or3A_527, %get3A_531, %broadcast_in_dim3A_5 : vector<16xi1>, vector<16xi32>
      %or3A_535 = arith.ori %or3A_533, %select_n3A_534 : vector<16xi32>
      %not3A = arith.constant dense<-1> : vector<16xi32>
      %not3A_536 = arith.xori %or3A_535, %not3A : vector<16xi32>
      %swap3A = arith.index_cast %mul3A_20 : i32 to index
      %swap3A_537 = tpu.vector_load %arg8[%swap3A] {strides = array<i32>} : memref<256xi32, #tpu.memory_space<vmem>>, vector<16xi32>,
      tpu.vector_store %arg8[%swap3A], %not3A_536 {strides = array<i32>} : memref<256xi32, #tpu.memory_space<vmem>>, vector<16xi32>,
    }
    %mul3A_16 = arith.constant 256 : i32
    %mul3A_17 = arith.muli %add3A, %mul3A_16 : i32
    "tpu.region"() ({
      %run_scoped3A = tpu.sem_alloc : memref<!tpu.dma_semaphore, #tpu.memory_space<semaphore_mem>>
      %dma_start3A = tpu.memref_slice %arg4[%mul3A_17] : memref<8192xi32, #tpu.memory_space<hbm>> -> memref<256xi32, #tpu.memory_space<hbm>>
      %dma_start3A_18 = tpu.memref_slice %arg4[%mul3A_17] : memref<8192xi32, #tpu.memory_space<hbm>> -> memref<256xi32, #tpu.memory_space<hbm>>
      tpu.enqueue_dma source(%arg8 : memref<256xi32, #tpu.memory_space<vmem>>) target(%dma_start3A_18 : memref<256xi32, #tpu.memory_space<hbm>>) target_semaphore(%run_scoped3A : memref<!tpu.dma_semaphore, #tpu.memory_space<semaphore_mem>>)
      %dma_wait3A = tpu.memref_slice %arg4[%mul3A_17] : memref<8192xi32, #tpu.memory_space<hbm>> -> memref<256xi32, #tpu.memory_space<hbm>>
      %dma_wait3A_19 = tpu.memref_slice %arg4[%mul3A_17] : memref<8192xi32, #tpu.memory_space<hbm>> -> memref<256xi32, #tpu.memory_space<hbm>>
      tpu.wait_dma2 semaphore(%run_scoped3A : memref<!tpu.dma_semaphore, #tpu.memory_space<semaphore_mem>>) src(%arg8 : memref<256xi32, #tpu.memory_space<vmem>>) dst(%dma_wait3A_19 : memref<256xi32, #tpu.memory_space<hbm>>)
      tpu.yield
    }) : () -> ()
    return
  }
}

</mosaic_0001>

<sc_bundles>
// kernel: kernel.3.cloned.1.call-start
scs
__scs_entry_jumppad:
0x0: {  	(pc) =	sbr.rel $0x88, $3  }
0x1: {  	(tag) =	ssettag $0x0;
	lr =	simm.s32 $0x1  }
0x2: {  	[smem:$0x3F9E] =	sst lr;
	_ =	strace $0xD0000000  }
0x3: {  	_ = 	snop  }
0x4: {  	_ = 	snop  }
0x5: {  	_ = 	snop  }
0x6: {  	_ = 	snop  }
0x7: {  	_ = 	snop  }
__scs_overlays_trampoline_lowered:
0x8: {  	[smem:$0x3FAD] =	sst s0  }
0x9: {  	[smem:$0x3FAE] =	sst s1  }
0xa: {  	[smem:$0x3FAF] =	sst s2  }
0xb: {  	[smem:$0x3FB0] =	sst s3  }
0xc: {  	[smem:$0x3FB1] =	sst s4  }
0xd: {  	[smem:$0x3FB2] =	sst s5  }
0xe: {  	[smem:$0x3FB3] =	sst s6  }
0xf: {  	[smem:$0x3FB4] =	sst s7  }
0x10: {  	[smem:$0x3FB5] =	sst s8  }
0x11: {  	[smem:$0x3FB6] =	sst s9;
	s0 =	simm.s32 @!p0 $0x0  }
0x12: {  	s1 =	sld [smem:$0x3F9C];
	s0 =	simm.s32 @p0 $0x1  }
0x13: {  	[smem:$0x3FB7] =	sst s0;
	s0 =	simm.s32 @!p1 $0x0  }
0x14: {  	s2 =	sld [smem:$0x3F9B];
	s0 =	simm.s32 @p1 $0x1  }
0x15: {  	[smem:$0x3FB8] =	sst s0;
	s0 =	simm.s32 @!p2 $0x0  }
0x16: {  	s3 =	sld [smem:$0x3FDB];
	s0 =	simm.s32 @p2 $0x1  }
0x17: {  	s4 =	simm.s32 $0x1BF5;
	[smem:$0x3FBA] =	sst s0  }
0x18: {  	s0 =	sld [smem:$0x3F9D];
	_ =	swait.ge [sflag:s4], $0x0  }
0x19: {  	s7 =	sld [smem:$0x3F9E]  }
0x1a: {  	s8 =	sadd.s32 $0xFFFFE003, lr  }
0x1b: {  	s9 =	sadd.s32 $0xFFFFFEF7, lr;
	s5 =	simm.s32 $0xFFFFFFFF;
	p2 =	slt.u32 s8, $0xFFFFF086  }
0x1c: {  	p1 =	slt.u32 s9, $0xF7A;
	s5 =	simm.s32 @!p2 $0x0  }
0x1d: {  	s5 =	simm.s32 @p1 $0x1;
	p0 =	seq.s32 s7, s2  }
0x1e: {  	s7 =	smul.u32 @!p0 $0xF7A, s2;
	p2 =	seq.s32 @!p0 s5, $0x0  }
0x1f: {  	s9 =	smul.u32 $0xF7A, s1;
	s8 =	simm.s32 @!p0 $0x1BF5;
	p2 =	por !p2, p0  }
0x20: {  	[sflag:s8] =	ssyncset.s32 @!p0 $0xFFFFF086;
	s6 =	sadd.s32 @!p0 s3, s7;
	s7 =	simm.s32 @!p0 $0x108  }
0x21: {  	s3 =	sadd.s32 s3, s9;
	s6 =	sadd.s32 @!p0 $0x88, s6;
	s7 =	simm.s32 @p2 $0x1082  }
0x22: {  	[simem:s7], [sflag:s8] =	dma.local @!p0 [hbm:s6], $0xF7A  }
0x23: {  	s9 =	sor.u32 $0xD0000000, s2;
	s6 =	simm.s32 $0x108;
	_ =	swait.ge @!p0 [sflag:s8], $0x0  }
0x24: {  	s3 =	sadd.s32 $0x88, s3;
	s6 =	simm.s32 @!p1 $0x1082;
	[sflag:s4] =	ssyncset.s32 $0xFFFFF086  }
0x25: {  	[simem:s6], [sflag:s4] =	dma.local [hbm:s3], $0xF7A  }
0x26: {  	[smem:$0x3F9E] =	sst s1;
	(tag) =	ssettag s2;
	_ =	strace s9  }
0x27: {  	s1 =	sld [smem:$0x3FAE]  }
0x28: {  	s2 =	sld [smem:$0x3FAF]  }
0x29: {  	s4 =	sld [smem:$0x3FB1]  }
0x2a: {  	p0 =	seq.s32 s5, $0x0;
	s5 =	sld [smem:$0x3FB2]  }
0x2b: {  	s6 =	sld [smem:$0x3FB3]  }
0x2c: {  	s7 =	sld [smem:$0x3FB4]  }
0x2d: {  	s3 =	simm.s32 $0x108;
	s8 =	sld [smem:$0x3FB5]  }
0x2e: {  	s3 =	simm.s32 @!p0 $0x1082;
	s9 =	sld [smem:$0x3FB6]  }
0x2f: {  	lr =	sadd.s32 s0, s3;
	s0 =	sld [smem:$0x3FAD]  }
0x30: {  	s3 =	sld [smem:$0x3FB0]  }
0x31: {  	[smem:$0x3FB9] =	sst s10  }
0x32: {  	s10 =	sld [smem:$0x3FB7];
	_ =	sdelay $0x3  }
0x33: {  	p0 =	seq.s32 s10, $0x1;
	s10 =	sld [smem:$0x3FB9];
	_ =	sdelay $0x3  }
0x34: {  	[smem:$0x3FB9] =	sst s10  }
0x35: {  	s10 =	sld [smem:$0x3FB8];
	_ =	sdelay $0x3  }
0x36: {  	p1 =	seq.s32 s10, $0x1;
	s10 =	sld [smem:$0x3FB9];
	_ =	sdelay $0x3  }
0x37: {  	[smem:$0x3FB9] =	sst s10  }
0x38: {  	s10 =	sld [smem:$0x3FBA]  }
0x39: {  	_ = 	snop;
	(pc) =	sbr.ind lr, $3  }
0x3a: {  	_ = 	snop  }
0x3b: {  	_ = 	snop  }
0x3c: {  	p2 =	seq.s32 s10, $0x1;
	s10 =	sld [smem:$0x3FB9]  }
0x3d: {  	_ =	shalt  }
0x3e: {  	_ =	shalt  }
0x3f: {  	_ =	shalt  }
0x40: {  	_ =	shalt  }
0x41: {  	_ =	shalt  }
0x42: {  	_ =	shalt  }
0x43: {  	_ =	shalt  }
0x44: {  	_ =	shalt  }
0x45: {  	_ =	shalt  }
0x46: {  	_ =	shalt  }
0x47: {  	_ =	shalt  }
0x48: {  	_ =	shalt  }
0x49: {  	_ =	shalt  }
0x4a: {  	_ =	shalt  }
0x4b: {  	_ =	shalt  }
0x4c: {  	_ =	shalt  }
0x4d: {  	_ =	shalt  }
0x4e: {  	_ =	shalt  }
0x4f: {  	_ =	shalt  }
0x50: {  	_ =	shalt  }
0x51: {  	_ =	shalt  }
0x52: {  	_ =	shalt  }
0x53: {  	_ =	shalt  }
0x54: {  	_ =	shalt  }
0x55: {  	_ =	shalt  }
0x56: {  	_ =	shalt  }
0x57: {  	_ =	shalt  }
0x58: {  	_ =	shalt  }
0x59: {  	_ =	shalt  }
0x5a: {  	_ =	shalt  }
0x5b: {  	_ =	shalt  }
0x5c: {  	_ =	shalt  }
0x5d: {  	_ =	shalt  }
0x5e: {  	_ =	shalt  }
0x5f: {  	_ =	shalt  }
0x60: {  	_ =	shalt  }
0x61: {  	_ =	shalt  }
0x62: {  	_ =	shalt  }
0x63: {  	_ =	shalt  }
0x64: {  	_ =	shalt  }
0x65: {  	_ =	shalt  }
0x66: {  	_ =	shalt  }
0x67: {  	_ =	shalt  }
0x68: {  	_ =	shalt  }
0x69: {  	_ =	shalt  }
0x6a: {  	_ =	shalt  }
0x6b: {  	_ =	shalt  }
0x6c: {  	_ =	shalt  }
0x6d: {  	_ =	shalt  }
0x6e: {  	_ =	shalt  }
0x6f: {  	_ =	shalt  }
0x70: {  	_ =	shalt  }
0x71: {  	_ =	shalt  }
0x72: {  	_ =	shalt  }
0x73: {  	_ =	shalt  }
0x74: {  	_ =	shalt  }
0x75: {  	_ =	shalt  }
0x76: {  	_ =	shalt  }
0x77: {  	_ =	shalt  }
0x78: {  	_ =	shalt  }
0x79: {  	_ =	shalt  }
0x7a: {  	_ =	shalt  }
0x7b: {  	_ =	shalt  }
0x7c: {  	_ =	shalt  }
0x7d: {  	_ =	shalt  }
0x7e: {  	_ =	shalt  }
0x7f: {  	_ =	shalt  }
0x80: {  	_ =	shalt  }
0x81: {  	_ =	shalt  }
0x82: {  	_ =	shalt  }
0x83: {  	_ =	shalt  }
0x84: {  	_ =	shalt  }
0x85: {  	_ =	shalt  }
0x86: {  	_ =	shalt  }
0x87: {  	_ =	shalt  }
.Lfunc_end0:
.L_simem_size_0:
called_computation_lowered:
.L_overlay_start_0:
0x88: {  	s2 =	sld [smem:$0x3FD9]  }
0x89: {  	s3 =	sld [smem:$0x3FFE];
	_ =	sdelay $0x1  }
0x8a: {  	s1 =	srdreg.scid  }
0x8b: {  	s0 =	sand.u32 $0x1, s1  }
0x8c: {  	s17 =	sshll.u32 s0, $0xA;
	s2 =	sadd.s32 s3, s2  }
0x8d: {  	s2 =	sadd.s32 s2, s17  }
0x8e: {  	[smem:$0x3FC5] =	sst s2  }
0x8f: {  	_ = 	snop  }
0x90: {  	s2 =	sld [smem:$0x3FD0];
	(tm) =	ssettm $0x1  }
0x91: {  	s18 =	sld [smem:$0x3FFB];
	_ =	sdelay $0x3  }
0x92: {  	_ =	strace s18  }
0x93: {  	s3 =	sld [smem:$0x3FFC];
	_ =	sdelay $0x3  }
0x94: {  	_ =	strace s3  }
0x95: {  	s3 =	sld [smem:$0x3FFD];
	_ =	sdelay $0x3  }
0x96: {  	_ =	strace s3  }
0x97: {  	_ =	strace $0x8FFFFFFF  }
0x98: {  	s19 =	sld [smem:$0x3FDB];
	_ =	sdelay $0x1  }
0x99: {  	s4 =	simm.s32 $_scs_section_size  }
0x9a: {  	s5 =	simm.s32 $_size__tile_overlayer_lowered;
	s6 =	simm.s32 $_tile_overlayer_lowered  }
0x9b: {  	s22 =	simm.s32 $0x1BFF;
	s21 =	sshll.u32 s6, $0x1;
	s3 =	sadd.s32 s4, s19  }
0x9c: {  	s7 =	simm.s32 $0x0;
	s20 =	sshll.u32 s5, $0x1;
	s5 =	sadd.s32 s21, s3  }
0x9d: {  	[timem:s7], [sflag:s22] =	dma.local [hbm:s5], s20  }
0x9e: {  	_ =	swait.ge [sflag:s22], s20  }
0x9f: {  	s4 =	ssub.s32 $0x0, s20;
	[sflag:s22] =	ssyncset.done $0x0  }
0xa0: {  	[sflag:s22] =	ssyncadd.s32 s4;
	_ =	sdelay $0x1  }
0xa1: {  	s23 =	simm.s32 $0x1B8B  }
0xa2: {  	_ =	swait.ge [sflag:s23], $0x1  }
0xa3: {  	[sflag:s23] =	ssyncset.done $0x0  }
0xa4: {  	s25 =	simm.s32 $0x1B8E;
	s24 =	sld [smem:$0x3FFE];
	[sflag:s23] =	ssyncadd.s32 $0xFFFFFFFF  }
0xa5: {  	s26 =	simm.s32 $execute0_lowered;
	[smem:$0x3FD2] =	sst s25  }
0xa6: {  	s5 =	sshll.u32 s26, $0x1;
	_ =	strace $0x80000046;
	[dreg:$0x1] =	wrdreg $0xFFFFFFFF  }
0xa7: {  	s28 =	simm.s32 $_size_execute0_lowered;
	s3 =	sadd.s32 s3, s5;
	[dreg:$0x0] =	wrdreg $0x0  }
0xa8: {  	s5 =	sshll.u32 s28, $0x1;
	[dreg:$0x2] =	wrdreg s3  }
0xa9: {  	[dreg:$0x3] =	wrdreg s5  }
0xaa: {  	[dreg:$0x4] =	wrdreg $0xC0  }
0xab: {  	_ =	task [dreg:s7], $0x5FFFF  }
0xac: {  	[dreg:$0x1] =	wrdreg $0xFFFFFFFF  }
0xad: {  	[dreg:$0x0] =	wrdreg $0x60  }
0xae: {  	[dreg:$0x2] =	wrdreg s24  }
0xaf: {  	[dreg:$0x3] =	wrdreg s2  }
0xb0: {  	[dreg:$0x4] =	wrdreg $0x9  }
0xb1: {  	_ =	task.clear_ibuf [dreg:s7], $0x5FFFF;
	_ =	strace $0x90000046  }
0xb2: {  	s29 =	simm.s32 $0x9;
	_ =	strace $0x80000048  }
0xb3: {  	_ =	swait.ge [sflag:s29], $0x1  }
0xb4: {  	[sflag:s29] =	ssyncadd.s32 $0xFFFFFFFF  }
0xb5: {  	_ =	strace $0x90000048  }
0xb6: {  	_ =	sfence  }
0xb7: {  	s30 =	sld [smem:$0x0];
	_ =	sdelay $0x2  }
0xb8: {  	s31 =	sshll.u32 s1, $0xD;
	s1 =	sshrl.u32 s1, $0x2  }
0xb9: {  	s3 =	sand.u32 $0x4000, s31;
	s1 =	sadd.s32 s1, s30  }
0xba: {  	s0 =	sor.u32 s3, s0;
	s1 =	sshll.u32 s1, $0x11  }
0xbb: {  	s0 =	sor.u32 s1, s0  }
0xbc: {  	s0 =	sadd.s32 $0x8F2B, s0  }
0xbd: {  	[sflag:s0] =	ssyncadd.remote.s32 $0x1  }
0xbe: {  	_ =	sfence.sel $0xFFFF  }
0xbf: {  	[dreg:$0x0] =	wrdreg $0xFFFFFFFF;
	(pc) =	sbr.abs _section_cstart, $3  }
0xc0: {  	[dreg:$0x1] =	wrdreg $0xFFFFFFFF  }
0xc1: {  	_ =	task.clear_ibuf [dreg:s7], $0x2FFFF;
	_ =	strace $0x9FFFFFFF  }
0xc2: {  	(tm) =	ssettm $0x7FFFFFFF  }
0xc3: {  	_ =	shalt  }
tec
execute0_lowered:
.L_overlay_start_1:
0x0: {  	(tag) =	ssettag $0x1  }
0x1: {  	s4 =	rddreg [dreg:$0x0]  }
0x2: {  	s5 =	rddreg [dreg:$0x1]  }
0x3: {  	s0 =	rddreg [dreg:$0x2];
	s2 =	simm.s32 $0x0;
	v0 =	vlaneseq.u32  }
0x4: {  	s3 =	srdreg.scid;
	s1 =	stileid.u32;
	s10 =	simm.s32 $0x1380;
	v0 =	vmul.u32 $0x10, v0  }
0x5: {  	s11 =	simm.s32 $0x0;
	[smem:$0x7FF] =	sst s2;
	s6 =	sand.u32 $0x1, s3  }
0x6: {  	s7 =	sshll.u32 s1, $0x1;
	s3 =	sadd.s32 $0x4000, s4;
	s8 =	ssub.s32 $0x2, s6;
	v1 =	vor.u32 $0x1, v0;
	v2 =	vor.u32 $0x2, v0;
	v3 =	vor.u32 $0x3, v0  }
0x7: {  	_ =	strace $0x80000047;
	s6 =	sor.u32 s6, s7;
	s31 =	sshrl.u32 s8, $0x1;
	v4 =	vor.u32 $0x4, v0;
	v5 =	vor.u32 $0x5, v0;
	v6 =	vor.u32 $0x6, v0  }
0x8: {  	s9 =	sshll.u32 s6, $0x9;
	s6 =	sshll.u32 s6, $0x5;
	v7 =	vor.u32 $0x7, v0;
	v8 =	vor.u32 $0x8, v0;
	v9 =	vor.u32 $0x9, v0;
	s7 =	ssub.s32 s8, s31  }
0x9: {  	v10 =	vor.u32 $0xA, v0;
	v11 =	vor.u32 $0xB, v0;
	v12 =	vor.u32 $0xC, v0;
	s4 =	sadd.s32 s4, s9;
	s5 =	sadd.s32 s5, s6;
	s8 =	simm.s32 $0x1100  }
0xa: {  	v13 =	vor.u32 $0xD, v0;
	v14 =	vor.u32 $0xE, v0;
	v15 =	vor.u32 $0xF, v0;
	s9 =	simm.s32 $0x1000;
	s6 =	smax.u32 s7, $0x1;
	s7 =	simm.s32 $0x1  }
.LBB2_1:
0xb: {  	[tilespmem:s2], [sflag:$0x1] =	stream.linear.gather [hbm4b:s4+s2], $0x1000, $0x38;
	[tilespmem:$0x1480] =	vst v63  }
0xc: {  	_ =	swait.ge [sflag:s7], $0x1000  }
0xd: {  	[sflag:s7] =	ssyncset.done $0x0  }
0xe: {  	[sflag:s7] =	ssyncadd.s32 $0xFFFFF000  }
0xf: {  	[tilespmem:s8], [sflag:$0x1] =	stream.linear.gather [hbm4b:s3+s2], $0x280, $0x38;
	[tilespmem:$0x1480] =	vst v63  }
0x10: {  	_ =	swait.ge [sflag:s7], $0x280  }
0x11: {  	[sflag:s7] =	ssyncset.done $0x0  }
0x12: {  	s12 =	simm.s32 $0x80;
	s13 =	simm.s32 $0x0;
	[sflag:s7] =	ssyncadd.s32 $0xFFFFFD80  }
.LBB2_2:
0x13: {  	v16 =	vld [tilespmem:s12+$0xFFFFFF80];
	_ =	sdelay $0x4  }
0x14: {  	[tilespmem:v0+s9+$0x0] =	vst.idx.msk $0xffff, v16  }
0x15: {  	v16 =	vld [tilespmem:s12+$0xFFFFFF90];
	_ =	sdelay $0x4  }
0x16: {  	[tilespmem:v1+s9+$0x0] =	vst.idx.msk $0xffff, v16  }
0x17: {  	v16 =	vld [tilespmem:s12+$0xFFFFFFA0];
	_ =	sdelay $0x4  }
0x18: {  	[tilespmem:v2+s9+$0x0] =	vst.idx.msk $0xffff, v16  }
0x19: {  	v16 =	vld [tilespmem:s12+$0xFFFFFFB0];
	_ =	sdelay $0x4  }
0x1a: {  	[tilespmem:v3+s9+$0x0] =	vst.idx.msk $0xffff, v16  }
0x1b: {  	v16 =	vld [tilespmem:s12+$0xFFFFFFC0];
	_ =	sdelay $0x4  }
0x1c: {  	[tilespmem:v4+s9+$0x0] =	vst.idx.msk $0xffff, v16  }
0x1d: {  	v16 =	vld [tilespmem:s12+$0xFFFFFFD0];
	_ =	sdelay $0x4  }
0x1e: {  	[tilespmem:v5+s9+$0x0] =	vst.idx.msk $0xffff, v16  }
0x1f: {  	v16 =	vld [tilespmem:s12+$0xFFFFFFE0];
	_ =	sdelay $0x4  }
0x20: {  	[tilespmem:v6+s9+$0x0] =	vst.idx.msk $0xffff, v16  }
0x21: {  	v16 =	vld [tilespmem:s12+$0xFFFFFFF0];
	_ =	sdelay $0x4  }
0x22: {  	[tilespmem:v7+s9+$0x0] =	vst.idx.msk $0xffff, v16  }
0x23: {  	v16 =	vld [tilespmem:s12+$0x0];
	_ =	sdelay $0x4  }
0x24: {  	[tilespmem:v8+s9+$0x0] =	vst.idx.msk $0xffff, v16  }
0x25: {  	v16 =	vld [tilespmem:s12+$0x10];
	_ =	sdelay $0x4  }
0x26: {  	[tilespmem:v9+s9+$0x0] =	vst.idx.msk $0xffff, v16  }
0x27: {  	v16 =	vld [tilespmem:s12+$0x20];
	_ =	sdelay $0x4  }
0x28: {  	[tilespmem:v10+s9+$0x0] =	vst.idx.msk $0xffff, v16  }
0x29: {  	v16 =	vld [tilespmem:s12+$0x30];
	_ =	sdelay $0x4  }
0x2a: {  	[tilespmem:v11+s9+$0x0] =	vst.idx.msk $0xffff, v16  }
0x2b: {  	v16 =	vld [tilespmem:s12+$0x40];
	_ =	sdelay $0x4  }
0x2c: {  	[tilespmem:v12+s9+$0x0] =	vst.idx.msk $0xffff, v16  }
0x2d: {  	v16 =	vld [tilespmem:s12+$0x50];
	_ =	sdelay $0x4  }
0x2e: {  	[tilespmem:v13+s9+$0x0] =	vst.idx.msk $0xffff, v16  }
0x2f: {  	v16 =	vld [tilespmem:s12+$0x60];
	_ =	sdelay $0x4  }
0x30: {  	[tilespmem:v14+s9+$0x0] =	vst.idx.msk $0xffff, v16  }
0x31: {  	v16 =	vld [tilespmem:s12+$0x70];
	_ =	sdelay $0x4  }
0x32: {  	[tilespmem:v15+s9+$0x0] =	vst.idx.msk $0xffff, v16  }
0x33: {  	v37 =	vld [tilespmem:$0x1000]  }
0x34: {  	v36 =	vld [tilespmem:$0x1010]  }
0x35: {  	v33 =	vld [tilespmem:$0x1020]  }
0x36: {  	v32 =	vld [tilespmem:$0x1030]  }
0x37: {  	v29 =	vld [tilespmem:$0x1040]  }
0x38: {  	v26 =	vld [tilespmem:$0x1050]  }
0x39: {  	v25 =	vld [tilespmem:$0x1060]  }
0x3a: {  	v24 =	vld [tilespmem:$0x1070]  }
0x3b: {  	v23 =	vld [tilespmem:$0x1080]  }
0x3c: {  	v19 =	vld [tilespmem:$0x1090]  }
0x3d: {  	v17 =	vld [tilespmem:$0x10A0]  }
0x3e: {  	v16 =	vld [tilespmem:$0x10B0];
	_ =	sdelay $0x2  }
0x3f: {  	vm0 =	vgt.s32 v37, v36  }
0x40: {  	vm1 =	vgt.s32 v33, v32;
	vm14 =	vgt.s32 v29, v26;
	vm15 =	vgt.s32 v25, v24  }
0x41: {  	vm7 =	vgt.s32 v23, v19;
	vm8 =	vgt.s32 v17, v16;
	vm4 =	veq.s32 v37, v29  }
0x42: {  	vm5 =	veq.s32 v37, v26;
	vm13 =	veq.s32 v37, v24;
	v18 =	vsel vm0, v36, v37  }
0x43: {  	v20 =	vsel vm1, v32, v33;
	v51 =	vsel vm0, v37, v36;
	v52 =	vsel vm1, v33, v32  }
0x44: {  	v21 =	vsel vm14, v26, v29;
	v22 =	vsel vm15, v24, v25;
	v27 =	vsel vm14, v29, v26  }
0x45: {  	v30 =	vsel vm15, v25, v24;
	v31 =	vsel vm7, v19, v23;
	v34 =	vsel vm8, v16, v17  }
0x46: {  	v35 =	vsel vm7, v23, v19;
	v39 =	vsel vm8, v17, v16;
	vm7 =	veq.s32 v37, v25  }
0x47: {  	vm4 =	vmor vm4, vm5;
	vm15 =	veq.s32 v36, v29;
	vm8 =	veq.s32 v33, v24  }
0x48: {  	vm2 =	vlt.s32 v18, v20;
	vm0 =	vgt.s32 v51, v52;
	vm6 =	vlt.s32 v21, v22  }
0x49: {  	v57 =	vld [tilespmem:$0x1100];
	vm9 =	vgt.s32 v27, v30;
	vm10 =	vlt.s32 v31, v34;
	vm11 =	vgt.s32 v35, v39  }
0x4a: {  	vm4 =	vmor vm4, vm7;
	v38 =	vsel vm2, v18, v20;
	v18 =	vsel vm0, v51, v52;
	v20 =	vld [tilespmem:$0x10C0]  }
0x4b: {  	v28 =	vsel vm6, v21, v22;
	v21 =	vld [tilespmem:$0x10E0];
	v30 =	vsel vm9, v27, v30;
	v27 =	vsel vm10, v31, v34  }
0x4c: {  	v22 =	vld [tilespmem:$0x10F0];
	v53 =	vsel vm11, v35, v39;
	vm4 =	vmor vm4, vm13;
	vm9 =	veq.s32 v36, v26  }
0x4d: {  	vm10 =	veq.s32 v36, v25;
	vm11 =	veq.s32 v36, v24;
	vm3 =	veq.s32 v38, v18;
	v18 =	vld [tilespmem:$0x10D0]  }
0x4e: {  	vm13 =	veq.s32 v33, v29;
	vm1 =	veq.s32 v28, v30;
	vm4 =	vmor vm15, vm4  }
0x4f: {  	vm0 =	veq.s32 v27, v53;
	vm15 =	veq.s32 v33, v25;
	vm4 =	vmor vm9, vm4  }
0x50: {  	v52 =	vld [tilespmem:$0x11A0];
	v59 =	vsel vm3, $0x0, v57;
	vm9 =	veq.s32 v37, v23;
	vm2 =	vmor vm10, vm4  }
0x51: {  	vm10 =	veq.s32 v37, v19;
	vm2 =	vmor vm11, vm2;
	vm11 =	veq.s32 v32, v29  }
0x52: {  	vm6 =	vgt.s32 v21, v22;
	vm5 =	vmor vm13, vm2;
	vm12 =	vgt.s32 v20, v18  }
0x53: {  	vm13 =	veq.s32 v37, v16;
	v55 =	vsel vm6, v22, v21;
	v54 =	vsel vm12, v18, v20  }
0x54: {  	v58 =	vsel vm6, v21, v22;
	v56 =	vsel vm12, v20, v18;
	vm14 =	vlt.s32 v54, v55  }
0x55: {  	v53 =	vld [tilespmem:$0x11F0];
	v57 =	vsel vm0, $0x0, v52;
	vm12 =	vgt.s32 v56, v58;
	v30 =	vsel vm14, v54, v55  }
0x56: {  	v31 =	vsel vm12, v56, v58;
	vm14 =	veq.s32 v33, v26;
	vm12 =	veq.s32 v37, v17  }
0x57: {  	vm2 =	veq.s32 v30, v31;
	vm4 =	vmor vm14, vm5;
	vm5 =	vmor vm9, vm10  }
0x58: {  	vm14 =	veq.s32 v32, v26;
	vm9 =	veq.s32 v36, v19;
	vm10 =	veq.s32 v32, v25  }
0x59: {  	vm4 =	vmor vm15, vm4;
	vm5 =	vmor vm5, vm12;
	vm15 =	veq.s32 v36, v23  }
0x5a: {  	vm12 =	veq.s32 v36, v16;
	v58 =	vsel vm2, $0x0, v53;
	vm4 =	vmor vm8, vm4  }
0x5b: {  	vm5 =	vmor vm5, vm13;
	vm13 =	veq.s32 v32, v24;
	vm8 =	veq.s32 v33, v22  }
0x5c: {  	vm4 =	vmor vm11, vm4;
	vm5 =	vmor vm15, vm5;
	vm11 =	veq.s32 v36, v17  }
0x5d: {  	v60 =	vld [tilespmem:$0x1110];
	vm15 =	veq.s32 v33, v19;
	vm4 =	vmor vm14, vm4;
	vm5 =	vmor vm9, vm5  }
0x5e: {  	v61 =	vld [tilespmem:$0x1210];
	vm14 =	veq.s32 v33, v23;
	vm9 =	veq.s32 v38, v28;
	vm4 =	vmor vm10, vm4  }
0x5f: {  	vm5 =	vmor vm11, vm5;
	vm10 =	veq.s32 v33, v17;
	vm7 =	vmand vm1, vm9  }
0x60: {  	vm11 =	veq.s32 v33, v16;
	vm9 =	veq.s32 v37, v18;
	vm5 =	vmor vm12, vm5  }
0x61: {  	vm4 =	vmor vm13, vm4;
	vm7 =	vmand vm3, vm7;
	vm5 =	vmor vm14, vm5  }
0x62: {  	vm12 =	veq.s32 v32, v23;
	vm13 =	veq.s32 v32, v19;
	vm5 =	vmor vm15, vm5  }
0x63: {  	v34 =	vsel vm7, $0x0, v60;
	v35 =	vnsel vm4, $0x0, v61;
	vm5 =	vmor vm10, vm5  }
0x64: {  	vm14 =	veq.s32 v32, v17;
	vm7 =	veq.s32 v19, v22;
	vm5 =	vmor vm11, vm5  }
0x65: {  	vm15 =	veq.s32 v37, v20;
	vm10 =	veq.s32 v32, v16;
	vm5 =	vmor vm12, vm5  }
0x66: {  	v62 =	vld [tilespmem:$0x1120];
	vm11 =	veq.s32 v37, v21;
	vm12 =	veq.s32 v37, v22;
	vm5 =	vmor vm13, vm5  }
0x67: {  	v40 =	vld [tilespmem:$0x1220];
	vm13 =	veq.s32 v38, v27;
	vm4 =	vmor vm14, vm5;
	vm5 =	vmor vm15, vm9  }
0x68: {  	vm14 =	veq.s32 v36, v20;
	vm6 =	vmand vm0, vm13;
	vm15 =	veq.s32 v36, v18  }
0x69: {  	vm9 =	veq.s32 v36, v21;
	vm13 =	veq.s32 v33, v18;
	vm4 =	vmor vm10, vm4  }
0x6a: {  	vm5 =	vmor vm5, vm11;
	vm6 =	vmand vm3, vm6;
	vm10 =	veq.s32 v36, v22  }
0x6b: {  	v45 =	vld [tilespmem:$0x1130];
	vm11 =	veq.s32 v33, v20;
	vm5 =	vmor vm5, vm12;
	v63 =	vsel vm6, $0x0, v62  }
0x6c: {  	v44 =	vnsel vm4, $0x0, v40;
	vm12 =	veq.s32 v38, v30;
	vm6 =	veq.s32 v19, v21  }
0x6d: {  	vm5 =	vmor vm14, vm5;
	vm14 =	vmand vm2, vm12;
	vm12 =	veq.s32 v29, v17  }
0x6e: {  	vm5 =	vmor vm15, vm5;
	vm15 =	veq.s32 v33, v21;
	vm3 =	vmand vm3, vm14  }
0x6f: {  	vm14 =	veq.s32 v32, v18;
	vm5 =	vmor vm9, vm5;
	vm9 =	veq.s32 v29, v23  }
0x70: {  	v47 =	vsel vm3, $0x0, v45;
	vm5 =	vmor vm10, vm5;
	vm10 =	veq.s32 v29, v19  }
0x71: {  	vm4 =	vmor vm11, vm5;
	vm11 =	veq.s32 v32, v20;
	vm5 =	vmor vm9, vm10  }
0x72: {  	vm9 =	veq.s32 v26, v19;
	vm10 =	veq.s32 v32, v21;
	vm4 =	vmor vm13, vm4  }
0x73: {  	vm13 =	veq.s32 v29, v16;
	vm5 =	vmor vm5, vm12;
	vm12 =	veq.s32 v26, v16  }
0x74: {  	vm4 =	vmor vm15, vm4;
	vm5 =	vmor vm5, vm13;
	vm15 =	veq.s32 v26, v23  }
0x75: {  	vm13 =	veq.s32 v32, v22;
	vm4 =	vmor vm8, vm4;
	vm5 =	vmor vm15, vm5  }
0x76: {  	vm15 =	veq.s32 v25, v19;
	vm8 =	veq.s32 v25, v17;
	vm4 =	vmor vm11, vm4  }
0x77: {  	v46 =	vld [tilespmem:$0x1230];
	vm5 =	vmor vm9, vm5;
	vm11 =	veq.s32 v26, v17;
	vm9 =	veq.s32 v25, v16  }
0x78: {  	vm4 =	vmor vm14, vm4;
	vm5 =	vmor vm11, vm5;
	vm14 =	veq.s32 v25, v23  }
0x79: {  	vm11 =	veq.s32 v24, v19;
	vm4 =	vmor vm10, vm4;
	vm5 =	vmor vm12, vm5  }
0x7a: {  	vm10 =	veq.s32 v24, v23;
	vm12 =	veq.s32 v29, v20;
	vm4 =	vmor vm13, vm4  }
0x7b: {  	vm5 =	vmor vm14, vm5;
	vm13 =	veq.s32 v29, v18;
	vm14 =	veq.s32 v29, v21  }
0x7c: {  	vm5 =	vmor vm15, vm5;
	v48 =	vnsel vm4, $0x0, v46;
	vm4 =	vmor vm12, vm13  }
0x7d: {  	vm15 =	veq.s32 v24, v17;
	vm12 =	veq.s32 v26, v18;
	vm13 =	veq.s32 v26, v21  }
0x7e: {  	v49 =	vld [tilespmem:$0x1160];
	vm3 =	vmor vm8, vm5;
	vm4 =	vmor vm4, vm14;
	vm14 =	veq.s32 v28, v27  }
0x7f: {  	vm8 =	veq.s32 v24, v21;
	vm3 =	vmor vm9, vm3;
	vm9 =	veq.s32 v29, v22  }
0x80: {  	v51 =	vld [tilespmem:$0x1150];
	vm5 =	vmand vm0, vm14;
	vm14 =	veq.s32 v24, v20;
	vm3 =	vmor vm10, vm3  }
0x81: {  	vm10 =	veq.s32 v26, v20;
	vm4 =	vmor vm4, vm9;
	vm9 =	veq.s32 v25, v20  }
0x82: {  	v50 =	vld [tilespmem:$0x1260];
	vm5 =	vmand vm1, vm5;
	vm3 =	vmor vm11, vm3;
	vm11 =	veq.s32 v24, v16  }
0x83: {  	vm4 =	vmor vm10, vm4;
	vm10 =	veq.s32 v25, v18;
	v29 =	vsel vm5, $0x0, v49  }
0x84: {  	v56 =	vld [tilespmem:$0x1300];
	vm3 =	vmor vm15, vm3;
	vm4 =	vmor vm12, vm4;
	vm15 =	veq.s32 v26, v22  }
0x85: {  	v54 =	vld [tilespmem:$0x1170];
	vm12 =	veq.s32 v25, v22;
	v26 =	vsel vm1, $0x0, v51;
	vm3 =	vmor vm11, vm3  }
0x86: {  	vm4 =	vmor vm13, vm4;
	vm11 =	veq.s32 v25, v21;
	vm13 =	veq.s32 v28, v30  }
0x87: {  	vm4 =	vmor vm15, vm4;
	v38 =	vnsel vm3, $0x0, v50;
	vm5 =	vmand vm2, vm13  }
0x88: {  	vm15 =	veq.s32 v24, v18;
	vm4 =	vmor vm9, vm4;
	vm1 =	vmand vm1, vm5  }
0x89: {  	vm9 =	veq.s32 v24, v22;
	v24 =	vor.u32 v56, v59;
	vm5 =	veq.s32 v19, v18  }
0x8a: {  	vm4 =	vmor vm10, vm4;
	v25 =	vsel vm1, $0x0, v54;
	vm10 =	veq.s32 v27, v30  }
0x8b: {  	vm4 =	vmor vm11, vm4;
	vm1 =	vmand vm2, vm10;
	vm11 =	veq.s32 v23, v20  }
0x8c: {  	vm3 =	vmor vm12, vm4;
	vm12 =	veq.s32 v23, v18;
	vm0 =	vmand vm0, vm1  }
0x8d: {  	vm3 =	vmor vm14, vm3;
	vm13 =	vmor vm11, vm12;
	vm14 =	veq.s32 v23, v21  }
0x8e: {  	vm3 =	vmor vm15, vm3;
	vm1 =	vmor vm13, vm14;
	vm15 =	veq.s32 v23, v22  }
0x8f: {  	v59 =	vor.u32 v26, v24;
	vm4 =	veq.s32 v19, v20;
	vm1 =	vmor vm1, vm15  }
0x90: {  	vm10 =	veq.s32 v17, v21;
	v23 =	vor.u32 v57, v59;
	vm1 =	vmor vm4, vm1  }
0x91: {  	vm3 =	vmor vm8, vm3;
	v23 =	vor.u32 v58, v23;
	vm1 =	vmor vm5, vm1  }
0x92: {  	vm8 =	veq.s32 v17, v20;
	v23 =	vor.u32 v34, v23;
	vm1 =	vmor vm6, vm1  }
0x93: {  	vm3 =	vmor vm9, vm3;
	v60 =	vor.u32 v35, v23;
	vm1 =	vmor vm7, vm1  }
0x94: {  	vm9 =	veq.s32 v17, v18;
	v19 =	vor.u32 v63, v60;
	vm1 =	vmor vm8, vm1  }
0x95: {  	v55 =	vld [tilespmem:$0x1270];
	vm11 =	veq.s32 v17, v22;
	v19 =	vor.u32 v44, v19;
	vm1 =	vmor vm9, vm1  }
0x96: {  	vm12 =	veq.s32 v16, v20;
	v17 =	vld [tilespmem:$0x11B0];
	v19 =	vor.u32 v47, v19;
	vm1 =	vmor vm10, vm1  }
0x97: {  	v61 =	vld [tilespmem:$0x12B0];
	vm13 =	veq.s32 v16, v18;
	v19 =	vor.u32 v29, v19;
	vm1 =	vmor vm11, vm1  }
0x98: {  	vm14 =	veq.s32 v16, v21;
	v62 =	vor.u32 v38, v19;
	vm1 =	vmor vm12, vm1  }
0x99: {  	vm15 =	veq.s32 v16, v22;
	v18 =	vor.u32 v48, v62;
	vm1 =	vmor vm13, vm1  }
0x9a: {  	p0 =	sne.s32 s13, $0x3C0;
	v28 =	vnsel vm3, $0x0, v55;
	v16 =	vor.u32 v25, v18;
	vm1 =	vmor vm14, vm1  }
.Ltmp0:
0x9b: {  	v17 =	vsel vm0, $0x0, v17;
	v16 =	vor.u32 v28, v16;
	vm1 =	vmor vm15, vm1;
	(pc) =	sbr.rel @p0 .LBB2_2-.Ltmp0, $4  }
0x9c: {  	v16 =	vor.u32 v17, v16;
	v63 =	vnsel vm1, $0x0, v61  }
0x9d: {  	v16 =	vor.u32 v63, v16  }
0x9e: {  	s14 =	sshra.s32 s13, $0x2;
	v16 =	vxor.u32 $0xFFFFFFFF, v16  }
0x9f: {  	s13 =	sadd.s32 $0x40, s13;
	s12 =	sadd.s32 $0x100, s12;
	[tilespmem:s14+$0x1380] =	vst v16  }
0xa0: {  	s11 =	sadd.s32 $0x1, s11  }
0xa1: {  	p0 =	sne.s32 s11, s6  }
.Ltmp1:
0xa2: {  	_ = 	snop;
	(pc) =	sbr.rel @p0 .LBB2_1-.Ltmp1, $4  }
0xa3: {  	[hbm4b:s5+s2] =	stream.linear.scatter [tilespmem:s10], [sflag:$0x1], $0x100, $0x38;
	[tilespmem:$0x1480] =	vst v63  }
0xa4: {  	_ =	swait.ge [sflag:s7], $0x100  }
0xa5: {  	[sflag:s7] =	ssyncset.done $0x0  }
0xa6: {  	[sflag:s7] =	ssyncadd.s32 $0xFFFFFF00  }
0xa7: {  	_ =	sfence.sel $0x180000  }
0xa8: {  	[bflag:$0x0] =	sbarrier.arrive $0xFFFF  }
0xa9: {  	p0 =	sne.s32 s1, $0x0;
	_ =	strace $0x90000047  }
0xaa: {  	s0 =	sadd.s32 @!p0 $0x100000, s0;
	[bflag:$0x2] =	sbarrier.arrive $0xFFFF  }
0xab: {  	[sflag:s0] =	ssyncadd.tile.s32 @!p0 $0x1;
	_ =	shalt  }
.Lfunc_end2:
_tile_overlayer_lowered:
.L_overlay_start_2:
0xac: {  	(tag) =	ssettag $0x2  }
0xad: {  	s0 =	rddreg [dreg:$0x0];
	s2 =	stileid.u32  }
0xae: {  	s1 =	rddreg [dreg:$0x1];
	p0 =	sne.s32 s2, $0x0  }
0xaf: {  	s3 =	rddreg [dreg:$0x2];
	[bflag:$0x3] =	sbarrier.arrive $0xFFFF;
	s2 =	simm.s32 @!p0 $0x1C01  }
0xb0: {  	[timem:s3], [sflag:s2] =	dma.local @!p0 [hbm:s0], s1  }
0xb1: {  	s0 =	simm.s32 @!p0 $0x1  }
0xb2: {  	_ =	swait.ge @!p0 [sflag:s0], s1  }
0xb3: {  	s1 =	ssub.s32 @!p0 $0x0, s1;
	[sflag:s0] =	ssyncset.done @!p0 $0x0  }
0xb4: {  	[sflag:s0] =	ssyncadd.s32 @!p0 s1  }
0xb5: {  	[bflag:$0x3] =	sbarrier.arrive $0xFFFF  }
0xb6: {  	_ =	shalt  }

</sc_bundles>
